<compile_context>
chip_gen: v7x
topology: tpu7x:2x2x1
jax: 0.10.2.dev20260603
libtpu: 0.0.44.dev20260713+nightly
codegen_flags: <defaults>
</compile_context>

<pallas_src>
import functools

import jax
import jax.numpy as jnp
from jax import lax
from jax.experimental import pallas as pl
from jax.experimental.pallas import tpu as pltpu
from jax.experimental.pallas import tpu_sc as plsc

N = 10000
NP = 10240
E = 320000
NC = 2
NS = 16
CH = 80
NCH_E = E // (NC * NS * CH)
NCH_F = E // (NS * CH)
RPT = NP // NS
SCK = 25
D = 128
DEGW = 16
BM = 1024
NBLK = NP // BM


def _sc_mesh():
    return plsc.VectorSubcoreMesh(core_axis_name="c", subcore_axis_name="s")


@functools.cache
def _deg_call():
    @functools.partial(
        pl.kernel,
        out_type=jax.ShapeDtypeStruct((NC, NP, D), jnp.float32),
        mesh=_sc_mesh(),
        scratch_types=[
            pltpu.VMEM((NCH_E, CH), jnp.int32),
            pltpu.VMEM((CH, D), jnp.float32),
            pltpu.VMEM_SHARED((NP, D), jnp.float32),
        ],
    )
    def deg_kernel(dstix, zeros, deg_out, didx_v, ones_v, acc):
        c = lax.axis_index("c")
        s = lax.axis_index("s")
        w = c * NS + s
        r0 = s * RPT

        @pl.loop(0, CH)
        def _(i):
            @pl.loop(0, D // 16)
            def _(k):
                ones_v[i, pl.ds(k * 16, 16)] = jnp.full((16,), 1.0,
                                                        jnp.float32)

        pltpu.sync_copy(zeros.at[pl.ds(r0, RPT)], acc.at[pl.ds(r0, RPT)])
        pltpu.sync_copy(dstix.at[w], didx_v)
        plsc.subcore_barrier()

        @pl.loop(0, NCH_E)
        def _(j):
            pltpu.sync_copy(ones_v, acc.at[didx_v.at[j]], add=True)

        plsc.subcore_barrier()
        pltpu.sync_copy(acc.at[pl.ds(r0, RPT)], deg_out.at[c, pl.ds(r0, RPT)])

    return deg_kernel


@functools.cache
def _prop_call(split_edges):
    nch = NCH_E if split_edges else NCH_F
    outer = nch // SCK

    @functools.partial(
        pl.kernel,
        out_type=jax.ShapeDtypeStruct((NC * NP, D), jnp.float32),
        mesh=_sc_mesh(),
        scratch_types=[
            pltpu.VMEM((SCK, CH), jnp.int32),
            pltpu.VMEM((SCK, CH), jnp.int32),
            pltpu.VMEM((2, CH, D), jnp.float32),
            pltpu.VMEM_SHARED((NP, D), jnp.float32),
            pltpu.SemaphoreType.DMA((2,)),
        ],
    )
    def prop_kernel(srcix, dstix, table, zeros, out,
                    sidx_v, didx_v, msgs, acc, gsem):
        c = lax.axis_index("c")
        s = lax.axis_index("s")
        r0 = s * RPT
        cN = c * NP

        pltpu.sync_copy(zeros.at[pl.ds(r0, RPT)], acc.at[pl.ds(r0, RPT)])
        plsc.subcore_barrier()

        @pl.loop(0, outer)
        def _(o):
            if split_edges:
                w = c * NS + s
                pltpu.sync_copy(srcix.at[w, o], sidx_v)
                pltpu.sync_copy(dstix.at[w, o], didx_v)
            else:
                pltpu.sync_copy(srcix.at[s, o], sidx_v)
                pltpu.sync_copy(dstix.at[s, o], didx_v)

                @pl.loop(0, SCK)
                def _(i):
                    @pl.loop(0, CH // 16)
                    def _(k):
                        sidx_v[i, pl.ds(k * 16, 16)] = (
                            sidx_v[i, pl.ds(k * 16, 16)] + cN)

            @pl.loop(0, SCK + 1)
            def _(j):
                b = lax.rem(j, 2)

                @pl.when(j < SCK)
                def _():
                    pltpu.async_copy(table.at[sidx_v.at[j]],
                                     msgs.at[b], gsem.at[b])

                @pl.when(j >= 1)
                def _():
                    nb = 1 - b
                    pltpu.make_async_copy(table.at[sidx_v.at[0]],
                                          msgs.at[nb], gsem.at[nb]).wait()
                    pltpu.sync_copy(msgs.at[nb], acc.at[didx_v.at[j - 1]],
                                    add=True)

        plsc.subcore_barrier()
        pltpu.sync_copy(acc.at[pl.ds(r0, RPT)], out.at[pl.ds(cN + r0, RPT)])

    return prop_kernel


def _scale_body(x_ref, da_ref, db_ref, y_ref, dinv_ref):
    deg = da_ref[0, :, :1] + db_ref[0, :, :1] + 1.0
    dinv = lax.rsqrt(deg)
    y_ref[...] = x_ref[...] * dinv
    dinv_ref[...] = jnp.broadcast_to(dinv, (BM, D))


@functools.cache
def _scale_call():
    return pl.pallas_call(
        _scale_body,
        grid=(NBLK,),
        in_specs=[
            pl.BlockSpec((BM, D), lambda i: (i, 0)),
            pl.BlockSpec((1, BM, D), lambda i: (0, i, 0)),
            pl.BlockSpec((1, BM, D), lambda i: (1, i, 0)),
        ],
        out_specs=[
            pl.BlockSpec((BM, D), lambda i: (i, 0)),
            pl.BlockSpec((BM, D), lambda i: (i, 0)),
        ],
        out_shape=[
            jax.ShapeDtypeStruct((NP, D), jnp.float32),
            jax.ShapeDtypeStruct((NP, D), jnp.float32),
        ],
    )


def _layer1_body(a0_ref, a1_ref, y_ref, dinv_ref, w_ref, b_ref, ycat_ref):
    dinv = dinv_ref[...]
    z = (a0_ref[...] + a1_ref[...] + y_ref[...]) * dinv
    h = jnp.dot(z, w_ref[...], preferred_element_type=jnp.float32) + b_ref[...]
    h = jnp.maximum(h, 0.0)
    ycat_ref[0] = h[:, :D] * dinv
    ycat_ref[1] = h[:, D:] * dinv


@functools.cache
def _layer1_call():
    return pl.pallas_call(
        _layer1_body,
        grid=(NBLK,),
        in_specs=[
            pl.BlockSpec((BM, D), lambda i: (i, 0)),
            pl.BlockSpec((BM, D), lambda i: (i + NBLK, 0)),
            pl.BlockSpec((BM, D), lambda i: (i, 0)),
            pl.BlockSpec((BM, D), lambda i: (i, 0)),
            pl.BlockSpec((D, 256), lambda i: (0, 0)),
            pl.BlockSpec((1, 256), lambda i: (0, 0)),
        ],
        out_specs=pl.BlockSpec((2, BM, D), lambda i: (0, i, 0)),
        out_shape=jax.ShapeDtypeStruct((2, NP, D), jnp.float32),
    )


def _layer2_body(a_lo, a_hi, y_lo, y_hi, dinv_ref, w_ref, b_ref, ycat_ref):
    dinv = dinv_ref[...]
    z = jnp.concatenate(
        [(a_lo[...] + y_lo[...]) * dinv, (a_hi[...] + y_hi[...]) * dinv],
        axis=1)
    h = jnp.dot(z, w_ref[...], preferred_element_type=jnp.float32) + b_ref[...]
    h = jnp.maximum(h, 0.0)
    ycat_ref[0] = h[:, :D] * dinv
    ycat_ref[1] = h[:, D:] * dinv


def _final_body(a_lo, a_hi, y_lo, y_hi, dinv_ref, w_ref, b_ref, out_ref):
    dinv = dinv_ref[...]
    z = jnp.concatenate(
        [(a_lo[...] + y_lo[...]) * dinv, (a_hi[...] + y_hi[...]) * dinv],
        axis=1)
    out_ref[...] = (
        jnp.dot(z, w_ref[...], preferred_element_type=jnp.float32) + b_ref[...])


def _wide_in_specs():
    return [
        pl.BlockSpec((BM, D), lambda i: (i, 0)),
        pl.BlockSpec((BM, D), lambda i: (i + NBLK, 0)),
        pl.BlockSpec((BM, D), lambda i: (i, 0)),
        pl.BlockSpec((BM, D), lambda i: (i + NBLK, 0)),
        pl.BlockSpec((BM, D), lambda i: (i, 0)),
        pl.BlockSpec((256, 256), lambda i: (0, 0)),
        pl.BlockSpec((1, 256), lambda i: (0, 0)),
    ]


@functools.cache
def _layer2_call():
    return pl.pallas_call(
        _layer2_body,
        grid=(NBLK,),
        in_specs=_wide_in_specs(),
        out_specs=pl.BlockSpec((2, BM, D), lambda i: (0, i, 0)),
        out_shape=jax.ShapeDtypeStruct((2, NP, D), jnp.float32),
    )


@functools.cache
def _final_call():
    return pl.pallas_call(
        _final_body,
        grid=(NBLK,),
        in_specs=_wide_in_specs(),
        out_specs=pl.BlockSpec((BM, 256), lambda i: (i, 0)),
        out_shape=jax.ShapeDtypeStruct((N, 256), jnp.float32),
    )


def kernel(x, edge_index, W0, b0, W1, b1):
    src = edge_index[0].astype(jnp.int32)
    dst = edge_index[1].astype(jnp.int32)
    dstix_d = dst.reshape(NC * NS, NCH_E, CH)
    srcix_e = src.reshape(NC * NS, NCH_E // SCK, SCK, CH)
    dstix_e = dst.reshape(NC * NS, NCH_E // SCK, SCK, CH)
    srcix_f = src.reshape(NS, NCH_F // SCK, SCK, CH)
    dstix_f = dst.reshape(NS, NCH_F // SCK, SCK, CH)
    z128 = jnp.zeros((NP, D), jnp.float32)
    b0r = b0.reshape(1, 256)
    b1r = b1.reshape(1, 256)

    degcat = _deg_call()(dstix_d, z128)
    y0, dinv = _scale_call()(x, degcat, degcat)

    acc1 = _prop_call(True)(srcix_e, dstix_e, y0, z128)
    y1 = _layer1_call()(acc1, acc1, y0, dinv, W0, b0r).reshape(2 * NP, D)

    acc2 = _prop_call(False)(srcix_f, dstix_f, y1, z128)
    y2 = _layer2_call()(acc2, acc2, y1, y1, dinv, W1, b1r).reshape(2 * NP, D)

    acc3 = _prop_call(False)(srcix_f, dstix_f, y2, z128)
    out = _final_call()(acc3, acc3, y2, y2, dinv, W1, b1r)
    return out

# --- scband reference (transcript-rebuilt; emitter-appended) ---
"""Pipeline reference for scband-delta-gnn-23888608101378 (READ-ONLY COPY).

The authoritative reference and input builder live on the scoring server;
editing this copy changes nothing except your own understanding.
"""

import jax, jax.numpy as jnp
import numpy as np

N_NODES = 10000


def gcn_propagate(x, row, col, norm):
    # message: normalized gather from col, scatter-add to row
    msgs = x[col] * norm[:, None]
    agg = jnp.zeros((x.shape[0], x.shape[1]), dtype=x.dtype).at[row].add(msgs)
    return agg


def build_norm(edge_index, n):
    src = edge_index[0]
    dst = edge_index[1]
    loops = jnp.arange(n, dtype=edge_index.dtype)
    row = jnp.concatenate([dst, loops])
    col = jnp.concatenate([src, loops])
    deg = jnp.zeros((n,), dtype=jnp.float32).at[row].add(1.0)
    dinv = 1.0 / jnp.sqrt(jnp.maximum(deg, 1.0))
    norm = dinv[row] * dinv[col]
    return row, col, norm


def gcn_conv_with_agg(x, row, col, norm, W, b):
    agg = gcn_propagate(x, row, col, norm)
    out = agg @ W + b
    return out, agg


def setup_inputs(seed: int = 0) -> dict:
    key = jax.random.key(seed)
    k0, k1, k2, k3 = jax.random.split(key, 4)
    x = jax.random.normal(k0, (N_NODES, 128), dtype=jnp.float32)
    edge_index = jax.random.randint(k1, (2, 320000), 0, N_NODES, dtype=jnp.int64)
    W0 = jax.random.normal(k2, (128, 256), dtype=jnp.float32) * (1.0 / np.sqrt(128))
    b0 = jnp.zeros((256,), dtype=jnp.float32)
    W1 = jax.random.normal(k3, (256, 256), dtype=jnp.float32) * (1.0 / np.sqrt(256))
    b1 = jnp.zeros((256,), dtype=jnp.float32)
    return {"x": x, "edge_index": edge_index, "W0": W0, "b0": b0, "W1": W1, "b1": b1}


def reference(x, edge_index, W0, b0, W1, b1):
    # DeltaGNN.forward_single with defaults: flow_flag=False, heterophily=False,
    # residual=False, batch_norm=False, dropout=0 (eval). num_layers=3 ->
    # convs_a = [GCN(128,256), GCN(256,256)]; loop runs convs_a[0], convs_a[1]
    # with relu, then final step reuses convs_a[-1] (== convs_a[1]) without relu.
    row, col, norm = build_norm(edge_index, x.shape[0])
    h, _ = gcn_conv_with_agg(x, row, col, norm, W0, b0)
    h = jax.nn.relu(h)
    h, _ = gcn_conv_with_agg(h, row, col, norm, W1, b1)
    h = jax.nn.relu(h)
    out, _ = gcn_conv_with_agg(h, row, col, norm, W1, b1)
    return out

if __name__ == "__main__":
    import jax
    _d = setup_inputs()
    print(jax.jit(kernel)(*tuple(_d.values())))

</pallas_src>

<mosaic_0001>
#map = affine_map<(d0, d1) -> (0, 0, 0, 0)>
#map1 = affine_map<(d0, d1) -> (0, 0)>
module attributes {stable_mosaic.version = 14 : i64} {
  func.func @prop_kernel(%arg0: i32, %arg1: i32, %arg2: memref<16x10x25x80xi32, #tpu.memory_space<hbm>>, %arg3: memref<16x10x25x80xi32, #tpu.memory_space<hbm>>, %arg4: memref<20480x128xf32, #tpu.memory_space<hbm>>, %arg5: memref<10240x128xf32, #tpu.memory_space<hbm>>, %arg6: memref<20480x128xf32, #tpu.memory_space<hbm>>, %arg7: memref<25x80xi32, #tpu.memory_space<vmem>>, %arg8: memref<25x80xi32, #tpu.memory_space<vmem>>, %arg9: memref<2x80x128xf32, #tpu.memory_space<vmem>>, %arg10: memref<10240x128xf32, #tpu.memory_space<vmem_shared>>, %arg11: memref<2x!tpu.dma_semaphore, #tpu.memory_space<semaphore_mem>>) attributes {dimension_semantics = [#tpu.dimension_semantics<core_parallel>, #tpu.dimension_semantics<subcore_parallel>], iteration_bounds = array<i64: 2, 16>, scalar_prefetch = 0 : i64, scratch_operands = 5 : i64, tpu.core_type = #tpu.core_type<sc_vector_subcore>, window_params = [{transform_indices = #map}, {transform_indices = #map}, {transform_indices = #map1}, {transform_indices = #map1}, {transform_indices = #map1}]} {
    %mul3A = arith.constant 640 : i32
    %mul3A_0 = arith.muli %arg1, %mul3A : i32
    %mul3A_1 = arith.constant 10240 : i32
    %mul3A_2 = arith.muli %arg0, %mul3A_1 : i32
    "tpu.region"() ({
      %run_scoped3A = tpu.sem_alloc : memref<!tpu.dma_semaphore, #tpu.memory_space<semaphore_mem>>
      %dma_start3A = arith.constant 0 : i32
      %dma_start3A_8 = tpu.memref_slice %arg10[%mul3A_0, %dma_start3A] : memref<10240x128xf32, #tpu.memory_space<vmem_shared>> -> memref<640x128xf32, #tpu.memory_space<vmem_shared>>
      %dma_start3A_9 = arith.constant 0 : i32
      %dma_start3A_10 = tpu.memref_slice %arg5[%mul3A_0, %dma_start3A_9] : memref<10240x128xf32, #tpu.memory_space<hbm>> -> memref<640x128xf32, #tpu.memory_space<hbm>>
      tpu.enqueue_dma source(%dma_start3A_10 : memref<640x128xf32, #tpu.memory_space<hbm>>) target(%dma_start3A_8 : memref<640x128xf32, #tpu.memory_space<vmem_shared>>) target_semaphore(%run_scoped3A : memref<!tpu.dma_semaphore, #tpu.memory_space<semaphore_mem>>)
      %dma_wait3A = arith.constant 0 : i32
      %dma_wait3A_11 = tpu.memref_slice %arg10[%mul3A_0, %dma_wait3A] : memref<10240x128xf32, #tpu.memory_space<vmem_shared>> -> memref<640x128xf32, #tpu.memory_space<vmem_shared>>
      %dma_wait3A_12 = arith.constant 0 : i32
      %dma_wait3A_13 = tpu.memref_slice %arg5[%mul3A_0, %dma_wait3A_12] : memref<10240x128xf32, #tpu.memory_space<hbm>> -> memref<640x128xf32, #tpu.memory_space<hbm>>
      tpu.wait_dma2 semaphore(%run_scoped3A : memref<!tpu.dma_semaphore, #tpu.memory_space<semaphore_mem>>) src(%dma_wait3A_13 : memref<640x128xf32, #tpu.memory_space<hbm>>) dst(%dma_wait3A_11 : memref<640x128xf32, #tpu.memory_space<vmem_shared>>)
      tpu.yield
    }) : () -> ()
    %barrier3A = arith.constant 0 : index
    tpu.barrier barrier_id(%barrier3A)
    %scan3A = arith.constant 0 : i32
    %scan3A_3 = arith.constant 10 : i32
    %scan3A_4 = arith.addi %scan3A, %scan3A_3 : i32
    %scan3A_5 = arith.constant 1 : i32
    scf.for %scan3A_8 = %scan3A to %scan3A_4 step %scan3A_5  : i32 {
      %mul3A_9 = arith.constant 1 : i32
      %mul3A_10 = arith.muli %scan3A_8, %mul3A_9 : i32
      %add3A_11 = arith.constant 0 : i32
      %add3A_12 = arith.addi %add3A_11, %mul3A_10 : i32
      "tpu.region"() ({
        %run_scoped3A = tpu.sem_alloc : memref<!tpu.dma_semaphore, #tpu.memory_space<semaphore_mem>>
        %dma_start3A = arith.constant 0 : i32
        %dma_start3A_23 = arith.constant 0 : i32
        %dma_start3A_24 = tpu.memref_slice %arg2[%arg1, %add3A_12, %dma_start3A, %dma_start3A_23] : memref<16x10x25x80xi32, #tpu.memory_space<hbm>> -> memref<1x1x25x80xi32, #tpu.memory_space<hbm>>
        %dma_start3A_25 = tpu.memref_squeeze %dma_start3A_24 : memref<1x1x25x80xi32, #tpu.memory_space<hbm>> -> memref<25x80xi32, #tpu.memory_space<hbm>>
        %dma_start3A_26 = arith.constant 0 : i32
        %dma_start3A_27 = arith.constant 0 : i32
        %dma_start3A_28 = tpu.memref_slice %arg2[%arg1, %add3A_12, %dma_start3A_26, %dma_start3A_27] : memref<16x10x25x80xi32, #tpu.memory_space<hbm>> -> memref<1x1x25x80xi32, #tpu.memory_space<hbm>>
        %dma_start3A_29 = tpu.memref_squeeze %dma_start3A_28 : memref<1x1x25x80xi32, #tpu.memory_space<hbm>> -> memref<25x80xi32, #tpu.memory_space<hbm>>
        tpu.enqueue_dma source(%dma_start3A_29 : memref<25x80xi32, #tpu.memory_space<hbm>>) target(%arg7 : memref<25x80xi32, #tpu.memory_space<vmem>>) target_semaphore(%run_scoped3A : memref<!tpu.dma_semaphore, #tpu.memory_space<semaphore_mem>>)
        %dma_wait3A = arith.constant 0 : i32
        %dma_wait3A_30 = arith.constant 0 : i32
        %dma_wait3A_31 = tpu.memref_slice %arg2[%arg1, %add3A_12, %dma_wait3A, %dma_wait3A_30] : memref<16x10x25x80xi32, #tpu.memory_space<hbm>> -> memref<1x1x25x80xi32, #tpu.memory_space<hbm>>
        %dma_wait3A_32 = tpu.memref_squeeze %dma_wait3A_31 : memref<1x1x25x80xi32, #tpu.memory_space<hbm>> -> memref<25x80xi32, #tpu.memory_space<hbm>>
        %dma_wait3A_33 = arith.constant 0 : i32
        %dma_wait3A_34 = arith.constant 0 : i32
        %dma_wait3A_35 = tpu.memref_slice %arg2[%arg1, %add3A_12, %dma_wait3A_33, %dma_wait3A_34] : memref<16x10x25x80xi32, #tpu.memory_space<hbm>> -> memref<1x1x25x80xi32, #tpu.memory_space<hbm>>
        %dma_wait3A_36 = tpu.memref_squeeze %dma_wait3A_35 : memref<1x1x25x80xi32, #tpu.memory_space<hbm>> -> memref<25x80xi32, #tpu.memory_space<hbm>>
        tpu.wait_dma2 semaphore(%run_scoped3A : memref<!tpu.dma_semaphore, #tpu.memory_space<semaphore_mem>>) src(%dma_wait3A_36 : memref<25x80xi32, #tpu.memory_space<hbm>>) dst(%arg7 : memref<25x80xi32, #tpu.memory_space<vmem>>)
        tpu.yield
      }) : () -> ()
      "tpu.region"() ({
        %run_scoped3A = tpu.sem_alloc : memref<!tpu.dma_semaphore, #tpu.memory_space<semaphore_mem>>
        %dma_start3A = arith.constant 0 : i32
        %dma_start3A_23 = arith.constant 0 : i32
        %dma_start3A_24 = tpu.memref_slice %arg3[%arg1, %add3A_12, %dma_start3A, %dma_start3A_23] : memref<16x10x25x80xi32, #tpu.memory_space<hbm>> -> memref<1x1x25x80xi32, #tpu.memory_space<hbm>>
        %dma_start3A_25 = tpu.memref_squeeze %dma_start3A_24 : memref<1x1x25x80xi32, #tpu.memory_space<hbm>> -> memref<25x80xi32, #tpu.memory_space<hbm>>
        %dma_start3A_26 = arith.constant 0 : i32
        %dma_start3A_27 = arith.constant 0 : i32
        %dma_start3A_28 = tpu.memref_slice %arg3[%arg1, %add3A_12, %dma_start3A_26, %dma_start3A_27] : memref<16x10x25x80xi32, #tpu.memory_space<hbm>> -> memref<1x1x25x80xi32, #tpu.memory_space<hbm>>
        %dma_start3A_29 = tpu.memref_squeeze %dma_start3A_28 : memref<1x1x25x80xi32, #tpu.memory_space<hbm>> -> memref<25x80xi32, #tpu.memory_space<hbm>>
        tpu.enqueue_dma source(%dma_start3A_29 : memref<25x80xi32, #tpu.memory_space<hbm>>) target(%arg8 : memref<25x80xi32, #tpu.memory_space<vmem>>) target_semaphore(%run_scoped3A : memref<!tpu.dma_semaphore, #tpu.memory_space<semaphore_mem>>)
        %dma_wait3A = arith.constant 0 : i32
        %dma_wait3A_30 = arith.constant 0 : i32
        %dma_wait3A_31 = tpu.memref_slice %arg3[%arg1, %add3A_12, %dma_wait3A, %dma_wait3A_30] : memref<16x10x25x80xi32, #tpu.memory_space<hbm>> -> memref<1x1x25x80xi32, #tpu.memory_space<hbm>>
        %dma_wait3A_32 = tpu.memref_squeeze %dma_wait3A_31 : memref<1x1x25x80xi32, #tpu.memory_space<hbm>> -> memref<25x80xi32, #tpu.memory_space<hbm>>
        %dma_wait3A_33 = arith.constant 0 : i32
        %dma_wait3A_34 = arith.constant 0 : i32
        %dma_wait3A_35 = tpu.memref_slice %arg3[%arg1, %add3A_12, %dma_wait3A_33, %dma_wait3A_34] : memref<16x10x25x80xi32, #tpu.memory_space<hbm>> -> memref<1x1x25x80xi32, #tpu.memory_space<hbm>>
        %dma_wait3A_36 = tpu.memref_squeeze %dma_wait3A_35 : memref<1x1x25x80xi32, #tpu.memory_space<hbm>> -> memref<25x80xi32, #tpu.memory_space<hbm>>
        tpu.wait_dma2 semaphore(%run_scoped3A : memref<!tpu.dma_semaphore, #tpu.memory_space<semaphore_mem>>) src(%dma_wait3A_36 : memref<25x80xi32, #tpu.memory_space<hbm>>) dst(%arg8 : memref<25x80xi32, #tpu.memory_space<vmem>>)
        tpu.yield
      }) : () -> ()
      %scan3A_13 = arith.constant 0 : i32
      %scan3A_14 = arith.constant 25 : i32
      %scan3A_15 = arith.addi %scan3A_13, %scan3A_14 : i32
      %scan3A_16 = arith.constant 1 : i32
      scf.for %scan3A_23 = %scan3A_13 to %scan3A_15 step %scan3A_16  : i32 {
        %mul3A_24 = arith.constant 1 : i32
        %mul3A_25 = arith.muli %scan3A_23, %mul3A_24 : i32
        %add3A_26 = arith.constant 0 : i32
        %add3A_27 = arith.addi %add3A_26, %mul3A_25 : i32
        %scan3A_28 = arith.constant 0 : i32
        %scan3A_29 = arith.constant 5 : i32
        %scan3A_30 = arith.addi %scan3A_28, %scan3A_29 : i32
        %scan3A_31 = arith.constant 1 : i32
        scf.for %scan3A_33 = %scan3A_28 to %scan3A_30 step %scan3A_31  : i32 {
          %mul3A_34 = arith.constant 1 : i32
          %mul3A_35 = arith.muli %scan3A_33, %mul3A_34 : i32
          %add3A_36 = arith.constant 0 : i32
          %add3A_37 = arith.addi %add3A_36, %mul3A_35 : i32
          %mul3A_38 = arith.constant 16 : i32
          %mul3A_39 = arith.muli %add3A_37, %mul3A_38 : i32
          %get3A = arith.index_cast %add3A_27 : i32 to index
          %get3A_40 = arith.index_cast %mul3A_39 : i32 to index
          %get3A_41 = tpu.vector_load %arg7[%get3A, %get3A_40] {strides = array<i32>} : memref<25x80xi32, #tpu.memory_space<vmem>>, vector<1x16xi32>,
          %get3A_42 = vector.shape_cast %get3A_41 : vector<1x16xi32> to vector<16xi32>
          %add3A_43 = vector.broadcast %mul3A_2 : i32 to vector<16xi32>
          %add3A_44 = arith.addi %get3A_42, %add3A_43 : vector<16xi32>
          %mul3A_45 = arith.constant 16 : i32
          %mul3A_46 = arith.muli %add3A_37, %mul3A_45 : i32
          %swap3A = arith.index_cast %add3A_27 : i32 to index
          %swap3A_47 = arith.index_cast %mul3A_46 : i32 to index
          %swap3A_48 = tpu.vector_load %arg7[%swap3A, %swap3A_47] {strides = array<i32>} : memref<25x80xi32, #tpu.memory_space<vmem>>, vector<1x16xi32>,
          %swap3A_49 = vector.shape_cast %swap3A_48 : vector<1x16xi32> to vector<16xi32>
          %swap3A_50 = vector.shape_cast %add3A_44 : vector<16xi32> to vector<1x16xi32>
          tpu.vector_store %arg7[%swap3A, %swap3A_47], %swap3A_50 {strides = array<i32>} : memref<25x80xi32, #tpu.memory_space<vmem>>, vector<1x16xi32>,
        }
        %scan3A_32 = arith.constant 5 : i32
      }
      %scan3A_17 = arith.constant 25 : i32
      %scan3A_18 = arith.constant 0 : i32
      %scan3A_19 = arith.constant 26 : i32
      %scan3A_20 = arith.addi %scan3A_18, %scan3A_19 : i32
      %scan3A_21 = arith.constant 1 : i32
      scf.for %scan3A_23 = %scan3A_18 to %scan3A_20 step %scan3A_21  : i32 {
        %mul3A_24 = arith.constant 1 : i32
        %mul3A_25 = arith.muli %scan3A_23, %mul3A_24 : i32
        %add3A_26 = arith.constant 0 : i32
        %add3A_27 = arith.addi %add3A_26, %mul3A_25 : i32
        %rem3A = arith.constant 2 : i32
        %rem3A_28 = arith.remsi %add3A_27, %rem3A : i32
        %lt3A = arith.constant 25 : i32
        %lt3A_29 = arith.cmpi slt, %add3A_27, %lt3A : i32
        %convert_element_type3A = arith.extui %lt3A_29 : i1 to i32
        %cond3A = arith.constant 0 : i32
        %cond3A_30 = arith.cmpi ne, %convert_element_type3A, %cond3A : i32
        scf.if %cond3A_30 {
          %dma_start3A = arith.constant 0 : i32
          %dma_start3A_35 = arith.constant 0 : i32
          %dma_start3A_36 = tpu.memref_slice %arg9[%rem3A_28, %dma_start3A, %dma_start3A_35] : memref<2x80x128xf32, #tpu.memory_space<vmem>> -> memref<1x80x128xf32, #tpu.memory_space<vmem>>
          %dma_start3A_37 = tpu.memref_squeeze %dma_start3A_36 : memref<1x80x128xf32, #tpu.memory_space<vmem>> -> memref<80x128xf32, #tpu.memory_space<vmem>>
          %dma_start3A_38 = arith.constant 0 : i32
          %dma_start3A_39 = tpu.memref_slice %arg7[%add3A_27, %dma_start3A_38] : memref<25x80xi32, #tpu.memory_space<vmem>> -> memref<1x80xi32, #tpu.memory_space<vmem>>
          %dma_start3A_40 = tpu.memref_squeeze %dma_start3A_39 : memref<1x80xi32, #tpu.memory_space<vmem>> -> memref<80xi32, #tpu.memory_space<vmem>>
          %dma_start3A_41 = arith.constant 0 : i32
          %dma_start3A_42 = arith.constant 0 : i32
          %dma_start3A_43 = tpu.memref_slice %arg4[%dma_start3A_41, %dma_start3A_42] : memref<20480x128xf32, #tpu.memory_space<hbm>> -> memref<20480x128xf32, #tpu.memory_space<hbm>>
          %dma_start3A_44 = tpu.memref_slice %arg11[%rem3A_28] : memref<2x!tpu.dma_semaphore, #tpu.memory_space<semaphore_mem>> -> memref<1x!tpu.dma_semaphore, #tpu.memory_space<semaphore_mem>>
          %dma_start3A_45 = tpu.memref_squeeze %dma_start3A_44 : memref<1x!tpu.dma_semaphore, #tpu.memory_space<semaphore_mem>> -> memref<!tpu.dma_semaphore, #tpu.memory_space<semaphore_mem>>
          tpu.enqueue_indirect_dma source(%dma_start3A_43 : memref<20480x128xf32, #tpu.memory_space<hbm>>) target(%dma_start3A_37 : memref<80x128xf32, #tpu.memory_space<vmem>>) offsets(%dma_start3A_40 : memref<80xi32, #tpu.memory_space<vmem>>) semaphore(%dma_start3A_45 : memref<!tpu.dma_semaphore, #tpu.memory_space<semaphore_mem>>)
        } else {
        }
        %ge3A = arith.constant 1 : i32
        %ge3A_31 = arith.cmpi sge, %add3A_27, %ge3A : i32
        %convert_element_type3A_32 = arith.extui %ge3A_31 : i1 to i32
        %cond3A_33 = arith.constant 0 : i32
        %cond3A_34 = arith.cmpi ne, %convert_element_type3A_32, %cond3A_33 : i32
        scf.if %cond3A_34 {
          %sub3A = arith.constant 1 : i32
          %sub3A_35 = arith.subi %sub3A, %rem3A_28 : i32
          %dma_wait3A = arith.constant 0 : i32
          %dma_wait3A_36 = arith.constant 0 : i32
          %dma_wait3A_37 = arith.constant 0 : i32
          %dma_wait3A_38 = tpu.memref_slice %arg9[%sub3A_35, %dma_wait3A_36, %dma_wait3A_37] : memref<2x80x128xf32, #tpu.memory_space<vmem>> -> memref<1x80x128xf32, #tpu.memory_space<vmem>>
          %dma_wait3A_39 = tpu.memref_squeeze %dma_wait3A_38 : memref<1x80x128xf32, #tpu.memory_space<vmem>> -> memref<80x128xf32, #tpu.memory_space<vmem>>
          %dma_wait3A_40 = arith.constant 0 : i32
          %dma_wait3A_41 = tpu.memref_slice %arg7[%dma_wait3A, %dma_wait3A_40] : memref<25x80xi32, #tpu.memory_space<vmem>> -> memref<1x80xi32, #tpu.memory_space<vmem>>
          %dma_wait3A_42 = tpu.memref_squeeze %dma_wait3A_41 : memref<1x80xi32, #tpu.memory_space<vmem>> -> memref<80xi32, #tpu.memory_space<vmem>>
          %dma_wait3A_43 = arith.constant 0 : i32
          %dma_wait3A_44 = arith.constant 0 : i32
          %dma_wait3A_45 = tpu.memref_slice %arg4[%dma_wait3A_43, %dma_wait3A_44] : memref<20480x128xf32, #tpu.memory_space<hbm>> -> memref<20480x128xf32, #tpu.memory_space<hbm>>
          %dma_wait3A_46 = tpu.memref_slice %arg11[%sub3A_35] : memref<2x!tpu.dma_semaphore, #tpu.memory_space<semaphore_mem>> -> memref<1x!tpu.dma_semaphore, #tpu.memory_space<semaphore_mem>>
          %dma_wait3A_47 = tpu.memref_squeeze %dma_wait3A_46 : memref<1x!tpu.dma_semaphore, #tpu.memory_space<semaphore_mem>> -> memref<!tpu.dma_semaphore, #tpu.memory_space<semaphore_mem>>
          tpu.wait_indirect_dma semaphore(%dma_wait3A_47 : memref<!tpu.dma_semaphore, #tpu.memory_space<semaphore_mem>>) src(%dma_wait3A_45 : memref<20480x128xf32, #tpu.memory_space<hbm>>) dst(%dma_wait3A_39 : memref<80x128xf32, #tpu.memory_space<vmem>>)
          %sub3A_48 = arith.constant 1 : i32
          %sub3A_49 = arith.subi %add3A_27, %sub3A_48 : i32
          "tpu.region"() ({
            %run_scoped3A = tpu.sem_alloc : memref<!tpu.dma_semaphore, #tpu.memory_space<semaphore_mem>>
            %dma_start3A = arith.constant 0 : i32
            %dma_start3A_50 = arith.constant 0 : i32
            %dma_start3A_51 = tpu.memref_slice %arg9[%sub3A_35, %dma_start3A, %dma_start3A_50] : memref<2x80x128xf32, #tpu.memory_space<vmem>> -> memref<1x80x128xf32, #tpu.memory_space<vmem>>
            %dma_start3A_52 = tpu.memref_squeeze %dma_start3A_51 : memref<1x80x128xf32, #tpu.memory_space<vmem>> -> memref<80x128xf32, #tpu.memory_space<vmem>>
            %dma_start3A_53 = arith.constant 0 : i32
            %dma_start3A_54 = tpu.memref_slice %arg8[%sub3A_49, %dma_start3A_53] : memref<25x80xi32, #tpu.memory_space<vmem>> -> memref<1x80xi32, #tpu.memory_space<vmem>>
            %dma_start3A_55 = tpu.memref_squeeze %dma_start3A_54 : memref<1x80xi32, #tpu.memory_space<vmem>> -> memref<80xi32, #tpu.memory_space<vmem>>
            %dma_start3A_56 = arith.constant 0 : i32
            %dma_start3A_57 = arith.constant 0 : i32
            %dma_start3A_58 = tpu.memref_slice %arg10[%dma_start3A_56, %dma_start3A_57] : memref<10240x128xf32, #tpu.memory_space<vmem_shared>> -> memref<10240x128xf32, #tpu.memory_space<vmem_shared>>
            tpu.enqueue_indirect_dma source(%dma_start3A_52 : memref<80x128xf32, #tpu.memory_space<vmem>>) target(%dma_start3A_58 : memref<10240x128xf32, #tpu.memory_space<vmem_shared>>) offsets(%dma_start3A_55 : memref<80xi32, #tpu.memory_space<vmem>>) semaphore(%run_scoped3A : memref<!tpu.dma_semaphore, #tpu.memory_space<semaphore_mem>>) {add = true}
            %dma_wait3A_59 = arith.constant 0 : i32
            %dma_wait3A_60 = arith.constant 0 : i32
            %dma_wait3A_61 = tpu.memref_slice %arg9[%sub3A_35, %dma_wait3A_59, %dma_wait3A_60] : memref<2x80x128xf32, #tpu.memory_space<vmem>> -> memref<1x80x128xf32, #tpu.memory_space<vmem>>
            %dma_wait3A_62 = tpu.memref_squeeze %dma_wait3A_61 : memref<1x80x128xf32, #tpu.memory_space<vmem>> -> memref<80x128xf32, #tpu.memory_space<vmem>>
            %dma_wait3A_63 = arith.constant 0 : i32
            %dma_wait3A_64 = tpu.memref_slice %arg8[%sub3A_49, %dma_wait3A_63] : memref<25x80xi32, #tpu.memory_space<vmem>> -> memref<1x80xi32, #tpu.memory_space<vmem>>
            %dma_wait3A_65 = tpu.memref_squeeze %dma_wait3A_64 : memref<1x80xi32, #tpu.memory_space<vmem>> -> memref<80xi32, #tpu.memory_space<vmem>>
            %dma_wait3A_66 = arith.constant 0 : i32
            %dma_wait3A_67 = arith.constant 0 : i32
            %dma_wait3A_68 = tpu.memref_slice %arg10[%dma_wait3A_66, %dma_wait3A_67] : memref<10240x128xf32, #tpu.memory_space<vmem_shared>> -> memref<10240x128xf32, #tpu.memory_space<vmem_shared>>
            tpu.wait_indirect_dma semaphore(%run_scoped3A : memref<!tpu.dma_semaphore, #tpu.memory_space<semaphore_mem>>) src(%dma_wait3A_62 : memref<80x128xf32, #tpu.memory_space<vmem>>) dst(%dma_wait3A_68 : memref<10240x128xf32, #tpu.memory_space<vmem_shared>>)
            tpu.yield
          }) : () -> ()
        } else {
        }
      }
      %scan3A_22 = arith.constant 26 : i32
    }
    %scan3A_6 = arith.constant 10 : i32
    %barrier3A_7 = arith.constant 0 : index
    tpu.barrier barrier_id(%barrier3A_7)
    %add3A = arith.addi %mul3A_2, %mul3A_0 : i32
    "tpu.region"() ({
      %run_scoped3A = tpu.sem_alloc : memref<!tpu.dma_semaphore, #tpu.memory_space<semaphore_mem>>
      %dma_start3A = arith.constant 0 : i32
      %dma_start3A_8 = tpu.memref_slice %arg6[%add3A, %dma_start3A] : memref<20480x128xf32, #tpu.memory_space<hbm>> -> memref<640x128xf32, #tpu.memory_space<hbm>>
      %dma_start3A_9 = arith.constant 0 : i32
      %dma_start3A_10 = tpu.memref_slice %arg10[%mul3A_0, %dma_start3A_9] : memref<10240x128xf32, #tpu.memory_space<vmem_shared>> -> memref<640x128xf32, #tpu.memory_space<vmem_shared>>
      tpu.enqueue_dma source(%dma_start3A_10 : memref<640x128xf32, #tpu.memory_space<vmem_shared>>) target(%dma_start3A_8 : memref<640x128xf32, #tpu.memory_space<hbm>>) target_semaphore(%run_scoped3A : memref<!tpu.dma_semaphore, #tpu.memory_space<semaphore_mem>>)
      %dma_wait3A = arith.constant 0 : i32
      %dma_wait3A_11 = tpu.memref_slice %arg6[%add3A, %dma_wait3A] : memref<20480x128xf32, #tpu.memory_space<hbm>> -> memref<640x128xf32, #tpu.memory_space<hbm>>
      %dma_wait3A_12 = arith.constant 0 : i32
      %dma_wait3A_13 = tpu.memref_slice %arg10[%mul3A_0, %dma_wait3A_12] : memref<10240x128xf32, #tpu.memory_space<vmem_shared>> -> memref<640x128xf32, #tpu.memory_space<vmem_shared>>
      tpu.wait_dma2 semaphore(%run_scoped3A : memref<!tpu.dma_semaphore, #tpu.memory_space<semaphore_mem>>) src(%dma_wait3A_13 : memref<640x128xf32, #tpu.memory_space<vmem_shared>>) dst(%dma_wait3A_11 : memref<640x128xf32, #tpu.memory_space<hbm>>)
      tpu.yield
    }) : () -> ()
    return
  }
}

#map = affine_map<(d0, d1) -> (0, 0, 0)>
#map1 = affine_map<(d0, d1) -> (0, 0)>
module attributes {stable_mosaic.version = 14 : i64} {
  func.func @deg_kernel(%arg0: i32, %arg1: i32, %arg2: memref<32x125x80xi32, #tpu.memory_space<hbm>>, %arg3: memref<10240x128xf32, #tpu.memory_space<hbm>>, %arg4: memref<2x10240x128xf32, #tpu.memory_space<hbm>>, %arg5: memref<125x80xi32, #tpu.memory_space<vmem>>, %arg6: memref<80x128xf32, #tpu.memory_space<vmem>>, %arg7: memref<10240x128xf32, #tpu.memory_space<vmem_shared>>) attributes {dimension_semantics = [#tpu.dimension_semantics<core_parallel>, #tpu.dimension_semantics<subcore_parallel>], iteration_bounds = array<i64: 2, 16>, scalar_prefetch = 0 : i64, scratch_operands = 3 : i64, tpu.core_type = #tpu.core_type<sc_vector_subcore>, window_params = [{transform_indices = #map}, {transform_indices = #map1}, {transform_indices = #map}]} {
    %mul3A = arith.constant 16 : i32
    %mul3A_0 = arith.muli %arg0, %mul3A : i32
    %add3A = arith.addi %mul3A_0, %arg1 : i32
    %mul3A_1 = arith.constant 640 : i32
    %mul3A_2 = arith.muli %arg1, %mul3A_1 : i32
    %scan3A = arith.constant 0 : i32
    %scan3A_3 = arith.constant 80 : i32
    %scan3A_4 = arith.addi %scan3A, %scan3A_3 : i32
    %scan3A_5 = arith.constant 1 : i32
    scf.for %scan3A_13 = %scan3A to %scan3A_4 step %scan3A_5  : i32 {
      %mul3A_14 = arith.constant 1 : i32
      %mul3A_15 = arith.muli %scan3A_13, %mul3A_14 : i32
      %add3A_16 = arith.constant 0 : i32
      %add3A_17 = arith.addi %add3A_16, %mul3A_15 : i32
      %scan3A_18 = arith.constant 0 : i32
      %scan3A_19 = arith.constant 8 : i32
      %scan3A_20 = arith.addi %scan3A_18, %scan3A_19 : i32
      %scan3A_21 = arith.constant 1 : i32
      scf.for %scan3A_23 = %scan3A_18 to %scan3A_20 step %scan3A_21  : i32 {
        %mul3A_24 = arith.constant 1 : i32
        %mul3A_25 = arith.muli %scan3A_23, %mul3A_24 : i32
        %add3A_26 = arith.constant 0 : i32
        %add3A_27 = arith.addi %add3A_26, %mul3A_25 : i32
        %broadcast_in_dim3A = arith.constant 1.000000e+00 : f32
        %broadcast_in_dim3A_28 = vector.broadcast %broadcast_in_dim3A : f32 to vector<16xf32>
        %mul3A_29 = arith.constant 16 : i32
        %mul3A_30 = arith.muli %add3A_27, %mul3A_29 : i32
        %swap3A = arith.index_cast %add3A_17 : i32 to index
        %swap3A_31 = arith.index_cast %mul3A_30 : i32 to index
        %swap3A_32 = tpu.vector_load %arg6[%swap3A, %swap3A_31] {strides = array<i32>} : memref<80x128xf32, #tpu.memory_space<vmem>>, vector<1x16xf32>,
        %swap3A_33 = vector.shape_cast %swap3A_32 : vector<1x16xf32> to vector<16xf32>
        %swap3A_34 = vector.shape_cast %broadcast_in_dim3A_28 : vector<16xf32> to vector<1x16xf32>
        tpu.vector_store %arg6[%swap3A, %swap3A_31], %swap3A_34 {strides = array<i32>} : memref<80x128xf32, #tpu.memory_space<vmem>>, vector<1x16xf32>,
      }
      %scan3A_22 = arith.constant 8 : i32
    }
    %scan3A_6 = arith.constant 80 : i32
    "tpu.region"() ({
      %run_scoped3A = tpu.sem_alloc : memref<!tpu.dma_semaphore, #tpu.memory_space<semaphore_mem>>
      %dma_start3A = arith.constant 0 : i32
      %dma_start3A_13 = tpu.memref_slice %arg7[%mul3A_2, %dma_start3A] : memref<10240x128xf32, #tpu.memory_space<vmem_shared>> -> memref<640x128xf32, #tpu.memory_space<vmem_shared>>
      %dma_start3A_14 = arith.constant 0 : i32
      %dma_start3A_15 = tpu.memref_slice %arg3[%mul3A_2, %dma_start3A_14] : memref<10240x128xf32, #tpu.memory_space<hbm>> -> memref<640x128xf32, #tpu.memory_space<hbm>>
      tpu.enqueue_dma source(%dma_start3A_15 : memref<640x128xf32, #tpu.memory_space<hbm>>) target(%dma_start3A_13 : memref<640x128xf32, #tpu.memory_space<vmem_shared>>) target_semaphore(%run_scoped3A : memref<!tpu.dma_semaphore, #tpu.memory_space<semaphore_mem>>)
      %dma_wait3A = arith.constant 0 : i32
      %dma_wait3A_16 = tpu.memref_slice %arg7[%mul3A_2, %dma_wait3A] : memref<10240x128xf32, #tpu.memory_space<vmem_shared>> -> memref<640x128xf32, #tpu.memory_space<vmem_shared>>
      %dma_wait3A_17 = arith.constant 0 : i32
      %dma_wait3A_18 = tpu.memref_slice %arg3[%mul3A_2, %dma_wait3A_17] : memref<10240x128xf32, #tpu.memory_space<hbm>> -> memref<640x128xf32, #tpu.memory_space<hbm>>
      tpu.wait_dma2 semaphore(%run_scoped3A : memref<!tpu.dma_semaphore, #tpu.memory_space<semaphore_mem>>) src(%dma_wait3A_18 : memref<640x128xf32, #tpu.memory_space<hbm>>) dst(%dma_wait3A_16 : memref<640x128xf32, #tpu.memory_space<vmem_shared>>)
      tpu.yield
    }) : () -> ()
    "tpu.region"() ({
      %run_scoped3A = tpu.sem_alloc : memref<!tpu.dma_semaphore, #tpu.memory_space<semaphore_mem>>
      %dma_start3A = arith.constant 0 : i32
      %dma_start3A_13 = arith.constant 0 : i32
      %dma_start3A_14 = tpu.memref_slice %arg2[%add3A, %dma_start3A, %dma_start3A_13] : memref<32x125x80xi32, #tpu.memory_space<hbm>> -> memref<1x125x80xi32, #tpu.memory_space<hbm>>
      %dma_start3A_15 = tpu.memref_squeeze %dma_start3A_14 : memref<1x125x80xi32, #tpu.memory_space<hbm>> -> memref<125x80xi32, #tpu.memory_space<hbm>>
      %dma_start3A_16 = arith.constant 0 : i32
      %dma_start3A_17 = arith.constant 0 : i32
      %dma_start3A_18 = tpu.memref_slice %arg2[%add3A, %dma_start3A_16, %dma_start3A_17] : memref<32x125x80xi32, #tpu.memory_space<hbm>> -> memref<1x125x80xi32, #tpu.memory_space<hbm>>
      %dma_start3A_19 = tpu.memref_squeeze %dma_start3A_18 : memref<1x125x80xi32, #tpu.memory_space<hbm>> -> memref<125x80xi32, #tpu.memory_space<hbm>>
      tpu.enqueue_dma source(%dma_start3A_19 : memref<125x80xi32, #tpu.memory_space<hbm>>) target(%arg5 : memref<125x80xi32, #tpu.memory_space<vmem>>) target_semaphore(%run_scoped3A : memref<!tpu.dma_semaphore, #tpu.memory_space<semaphore_mem>>)
      %dma_wait3A = arith.constant 0 : i32
      %dma_wait3A_20 = arith.constant 0 : i32
      %dma_wait3A_21 = tpu.memref_slice %arg2[%add3A, %dma_wait3A, %dma_wait3A_20] : memref<32x125x80xi32, #tpu.memory_space<hbm>> -> memref<1x125x80xi32, #tpu.memory_space<hbm>>
      %dma_wait3A_22 = tpu.memref_squeeze %dma_wait3A_21 : memref<1x125x80xi32, #tpu.memory_space<hbm>> -> memref<125x80xi32, #tpu.memory_space<hbm>>
      %dma_wait3A_23 = arith.constant 0 : i32
      %dma_wait3A_24 = arith.constant 0 : i32
      %dma_wait3A_25 = tpu.memref_slice %arg2[%add3A, %dma_wait3A_23, %dma_wait3A_24] : memref<32x125x80xi32, #tpu.memory_space<hbm>> -> memref<1x125x80xi32, #tpu.memory_space<hbm>>
      %dma_wait3A_26 = tpu.memref_squeeze %dma_wait3A_25 : memref<1x125x80xi32, #tpu.memory_space<hbm>> -> memref<125x80xi32, #tpu.memory_space<hbm>>
      tpu.wait_dma2 semaphore(%run_scoped3A : memref<!tpu.dma_semaphore, #tpu.memory_space<semaphore_mem>>) src(%dma_wait3A_26 : memref<125x80xi32, #tpu.memory_space<hbm>>) dst(%arg5 : memref<125x80xi32, #tpu.memory_space<vmem>>)
      tpu.yield
    }) : () -> ()
    %barrier3A = arith.constant 0 : index
    tpu.barrier barrier_id(%barrier3A)
    %scan3A_7 = arith.constant 0 : i32
    %scan3A_8 = arith.constant 125 : i32
    %scan3A_9 = arith.addi %scan3A_7, %scan3A_8 : i32
    %scan3A_10 = arith.constant 1 : i32
    scf.for %scan3A_13 = %scan3A_7 to %scan3A_9 step %scan3A_10  : i32 {
      %mul3A_14 = arith.constant 1 : i32
      %mul3A_15 = arith.muli %scan3A_13, %mul3A_14 : i32
      %add3A_16 = arith.constant 0 : i32
      %add3A_17 = arith.addi %add3A_16, %mul3A_15 : i32
      "tpu.region"() ({
        %run_scoped3A = tpu.sem_alloc : memref<!tpu.dma_semaphore, #tpu.memory_space<semaphore_mem>>
        %dma_start3A = arith.constant 0 : i32
        %dma_start3A_18 = tpu.memref_slice %arg5[%add3A_17, %dma_start3A] : memref<125x80xi32, #tpu.memory_space<vmem>> -> memref<1x80xi32, #tpu.memory_space<vmem>>
        %dma_start3A_19 = tpu.memref_squeeze %dma_start3A_18 : memref<1x80xi32, #tpu.memory_space<vmem>> -> memref<80xi32, #tpu.memory_space<vmem>>
        %dma_start3A_20 = arith.constant 0 : i32
        %dma_start3A_21 = arith.constant 0 : i32
        %dma_start3A_22 = tpu.memref_slice %arg7[%dma_start3A_20, %dma_start3A_21] : memref<10240x128xf32, #tpu.memory_space<vmem_shared>> -> memref<10240x128xf32, #tpu.memory_space<vmem_shared>>
        tpu.enqueue_indirect_dma source(%arg6 : memref<80x128xf32, #tpu.memory_space<vmem>>) target(%dma_start3A_22 : memref<10240x128xf32, #tpu.memory_space<vmem_shared>>) offsets(%dma_start3A_19 : memref<80xi32, #tpu.memory_space<vmem>>) semaphore(%run_scoped3A : memref<!tpu.dma_semaphore, #tpu.memory_space<semaphore_mem>>) {add = true}
        %dma_wait3A = arith.constant 0 : i32
        %dma_wait3A_23 = tpu.memref_slice %arg5[%add3A_17, %dma_wait3A] : memref<125x80xi32, #tpu.memory_space<vmem>> -> memref<1x80xi32, #tpu.memory_space<vmem>>
        %dma_wait3A_24 = tpu.memref_squeeze %dma_wait3A_23 : memref<1x80xi32, #tpu.memory_space<vmem>> -> memref<80xi32, #tpu.memory_space<vmem>>
        %dma_wait3A_25 = arith.constant 0 : i32
        %dma_wait3A_26 = arith.constant 0 : i32
        %dma_wait3A_27 = tpu.memref_slice %arg7[%dma_wait3A_25, %dma_wait3A_26] : memref<10240x128xf32, #tpu.memory_space<vmem_shared>> -> memref<10240x128xf32, #tpu.memory_space<vmem_shared>>
        tpu.wait_indirect_dma semaphore(%run_scoped3A : memref<!tpu.dma_semaphore, #tpu.memory_space<semaphore_mem>>) src(%arg6 : memref<80x128xf32, #tpu.memory_space<vmem>>) dst(%dma_wait3A_27 : memref<10240x128xf32, #tpu.memory_space<vmem_shared>>)
        tpu.yield
      }) : () -> ()
    }
    %scan3A_11 = arith.constant 125 : i32
    %barrier3A_12 = arith.constant 0 : index
    tpu.barrier barrier_id(%barrier3A_12)
    "tpu.region"() ({
      %run_scoped3A = tpu.sem_alloc : memref<!tpu.dma_semaphore, #tpu.memory_space<semaphore_mem>>
      %dma_start3A = arith.constant 0 : i32
      %dma_start3A_13 = tpu.memref_slice %arg4[%arg0, %mul3A_2, %dma_start3A] : memref<2x10240x128xf32, #tpu.memory_space<hbm>> -> memref<1x640x128xf32, #tpu.memory_space<hbm>>
      %dma_start3A_14 = tpu.memref_squeeze %dma_start3A_13 : memref<1x640x128xf32, #tpu.memory_space<hbm>> -> memref<640x128xf32, #tpu.memory_space<hbm>>
      %dma_start3A_15 = arith.constant 0 : i32
      %dma_start3A_16 = tpu.memref_slice %arg7[%mul3A_2, %dma_start3A_15] : memref<10240x128xf32, #tpu.memory_space<vmem_shared>> -> memref<640x128xf32, #tpu.memory_space<vmem_shared>>
      tpu.enqueue_dma source(%dma_start3A_16 : memref<640x128xf32, #tpu.memory_space<vmem_shared>>) target(%dma_start3A_14 : memref<640x128xf32, #tpu.memory_space<hbm>>) target_semaphore(%run_scoped3A : memref<!tpu.dma_semaphore, #tpu.memory_space<semaphore_mem>>)
      %dma_wait3A = arith.constant 0 : i32
      %dma_wait3A_17 = tpu.memref_slice %arg4[%arg0, %mul3A_2, %dma_wait3A] : memref<2x10240x128xf32, #tpu.memory_space<hbm>> -> memref<1x640x128xf32, #tpu.memory_space<hbm>>
      %dma_wait3A_18 = tpu.memref_squeeze %dma_wait3A_17 : memref<1x640x128xf32, #tpu.memory_space<hbm>> -> memref<640x128xf32, #tpu.memory_space<hbm>>
      %dma_wait3A_19 = arith.constant 0 : i32
      %dma_wait3A_20 = tpu.memref_slice %arg7[%mul3A_2, %dma_wait3A_19] : memref<10240x128xf32, #tpu.memory_space<vmem_shared>> -> memref<640x128xf32, #tpu.memory_space<vmem_shared>>
      tpu.wait_dma2 semaphore(%run_scoped3A : memref<!tpu.dma_semaphore, #tpu.memory_space<semaphore_mem>>) src(%dma_wait3A_20 : memref<640x128xf32, #tpu.memory_space<vmem_shared>>) dst(%dma_wait3A_18 : memref<640x128xf32, #tpu.memory_space<hbm>>)
      tpu.yield
    }) : () -> ()
    return
  }
}

#map = affine_map<(d0, d1) -> (0, 0, 0, 0)>
#map1 = affine_map<(d0, d1) -> (0, 0)>
module attributes {stable_mosaic.version = 14 : i64} {
  func.func @prop_kernel(%arg0: i32, %arg1: i32, %arg2: memref<32x5x25x80xi32, #tpu.memory_space<hbm>>, %arg3: memref<32x5x25x80xi32, #tpu.memory_space<hbm>>, %arg4: memref<10240x128xf32, #tpu.memory_space<hbm>>, %arg5: memref<10240x128xf32, #tpu.memory_space<hbm>>, %arg6: memref<20480x128xf32, #tpu.memory_space<hbm>>, %arg7: memref<25x80xi32, #tpu.memory_space<vmem>>, %arg8: memref<25x80xi32, #tpu.memory_space<vmem>>, %arg9: memref<2x80x128xf32, #tpu.memory_space<vmem>>, %arg10: memref<10240x128xf32, #tpu.memory_space<vmem_shared>>, %arg11: memref<2x!tpu.dma_semaphore, #tpu.memory_space<semaphore_mem>>) attributes {dimension_semantics = [#tpu.dimension_semantics<core_parallel>, #tpu.dimension_semantics<subcore_parallel>], iteration_bounds = array<i64: 2, 16>, scalar_prefetch = 0 : i64, scratch_operands = 5 : i64, tpu.core_type = #tpu.core_type<sc_vector_subcore>, window_params = [{transform_indices = #map}, {transform_indices = #map}, {transform_indices = #map1}, {transform_indices = #map1}, {transform_indices = #map1}]} {
    %mul3A = arith.constant 640 : i32
    %mul3A_0 = arith.muli %arg1, %mul3A : i32
    %mul3A_1 = arith.constant 10240 : i32
    %mul3A_2 = arith.muli %arg0, %mul3A_1 : i32
    "tpu.region"() ({
      %run_scoped3A = tpu.sem_alloc : memref<!tpu.dma_semaphore, #tpu.memory_space<semaphore_mem>>
      %dma_start3A = arith.constant 0 : i32
      %dma_start3A_8 = tpu.memref_slice %arg10[%mul3A_0, %dma_start3A] : memref<10240x128xf32, #tpu.memory_space<vmem_shared>> -> memref<640x128xf32, #tpu.memory_space<vmem_shared>>
      %dma_start3A_9 = arith.constant 0 : i32
      %dma_start3A_10 = tpu.memref_slice %arg5[%mul3A_0, %dma_start3A_9] : memref<10240x128xf32, #tpu.memory_space<hbm>> -> memref<640x128xf32, #tpu.memory_space<hbm>>
      tpu.enqueue_dma source(%dma_start3A_10 : memref<640x128xf32, #tpu.memory_space<hbm>>) target(%dma_start3A_8 : memref<640x128xf32, #tpu.memory_space<vmem_shared>>) target_semaphore(%run_scoped3A : memref<!tpu.dma_semaphore, #tpu.memory_space<semaphore_mem>>)
      %dma_wait3A = arith.constant 0 : i32
      %dma_wait3A_11 = tpu.memref_slice %arg10[%mul3A_0, %dma_wait3A] : memref<10240x128xf32, #tpu.memory_space<vmem_shared>> -> memref<640x128xf32, #tpu.memory_space<vmem_shared>>
      %dma_wait3A_12 = arith.constant 0 : i32
      %dma_wait3A_13 = tpu.memref_slice %arg5[%mul3A_0, %dma_wait3A_12] : memref<10240x128xf32, #tpu.memory_space<hbm>> -> memref<640x128xf32, #tpu.memory_space<hbm>>
      tpu.wait_dma2 semaphore(%run_scoped3A : memref<!tpu.dma_semaphore, #tpu.memory_space<semaphore_mem>>) src(%dma_wait3A_13 : memref<640x128xf32, #tpu.memory_space<hbm>>) dst(%dma_wait3A_11 : memref<640x128xf32, #tpu.memory_space<vmem_shared>>)
      tpu.yield
    }) : () -> ()
    %barrier3A = arith.constant 0 : index
    tpu.barrier barrier_id(%barrier3A)
    %scan3A = arith.constant 0 : i32
    %scan3A_3 = arith.constant 5 : i32
    %scan3A_4 = arith.addi %scan3A, %scan3A_3 : i32
    %scan3A_5 = arith.constant 1 : i32
    scf.for %scan3A_8 = %scan3A to %scan3A_4 step %scan3A_5  : i32 {
      %mul3A_9 = arith.constant 1 : i32
      %mul3A_10 = arith.muli %scan3A_8, %mul3A_9 : i32
      %add3A_11 = arith.constant 0 : i32
      %add3A_12 = arith.addi %add3A_11, %mul3A_10 : i32
      %mul3A_13 = arith.constant 16 : i32
      %mul3A_14 = arith.muli %arg0, %mul3A_13 : i32
      %add3A_15 = arith.addi %mul3A_14, %arg1 : i32
      "tpu.region"() ({
        %run_scoped3A = tpu.sem_alloc : memref<!tpu.dma_semaphore, #tpu.memory_space<semaphore_mem>>
        %dma_start3A = arith.constant 0 : i32
        %dma_start3A_21 = arith.constant 0 : i32
        %dma_start3A_22 = tpu.memref_slice %arg2[%add3A_15, %add3A_12, %dma_start3A, %dma_start3A_21] : memref<32x5x25x80xi32, #tpu.memory_space<hbm>> -> memref<1x1x25x80xi32, #tpu.memory_space<hbm>>
        %dma_start3A_23 = tpu.memref_squeeze %dma_start3A_22 : memref<1x1x25x80xi32, #tpu.memory_space<hbm>> -> memref<25x80xi32, #tpu.memory_space<hbm>>
        %dma_start3A_24 = arith.constant 0 : i32
        %dma_start3A_25 = arith.constant 0 : i32
        %dma_start3A_26 = tpu.memref_slice %arg2[%add3A_15, %add3A_12, %dma_start3A_24, %dma_start3A_25] : memref<32x5x25x80xi32, #tpu.memory_space<hbm>> -> memref<1x1x25x80xi32, #tpu.memory_space<hbm>>
        %dma_start3A_27 = tpu.memref_squeeze %dma_start3A_26 : memref<1x1x25x80xi32, #tpu.memory_space<hbm>> -> memref<25x80xi32, #tpu.memory_space<hbm>>
        tpu.enqueue_dma source(%dma_start3A_27 : memref<25x80xi32, #tpu.memory_space<hbm>>) target(%arg7 : memref<25x80xi32, #tpu.memory_space<vmem>>) target_semaphore(%run_scoped3A : memref<!tpu.dma_semaphore, #tpu.memory_space<semaphore_mem>>)
        %dma_wait3A = arith.constant 0 : i32
        %dma_wait3A_28 = arith.constant 0 : i32
        %dma_wait3A_29 = tpu.memref_slice %arg2[%add3A_15, %add3A_12, %dma_wait3A, %dma_wait3A_28] : memref<32x5x25x80xi32, #tpu.memory_space<hbm>> -> memref<1x1x25x80xi32, #tpu.memory_space<hbm>>
        %dma_wait3A_30 = tpu.memref_squeeze %dma_wait3A_29 : memref<1x1x25x80xi32, #tpu.memory_space<hbm>> -> memref<25x80xi32, #tpu.memory_space<hbm>>
        %dma_wait3A_31 = arith.constant 0 : i32
        %dma_wait3A_32 = arith.constant 0 : i32
        %dma_wait3A_33 = tpu.memref_slice %arg2[%add3A_15, %add3A_12, %dma_wait3A_31, %dma_wait3A_32] : memref<32x5x25x80xi32, #tpu.memory_space<hbm>> -> memref<1x1x25x80xi32, #tpu.memory_space<hbm>>
        %dma_wait3A_34 = tpu.memref_squeeze %dma_wait3A_33 : memref<1x1x25x80xi32, #tpu.memory_space<hbm>> -> memref<25x80xi32, #tpu.memory_space<hbm>>
        tpu.wait_dma2 semaphore(%run_scoped3A : memref<!tpu.dma_semaphore, #tpu.memory_space<semaphore_mem>>) src(%dma_wait3A_34 : memref<25x80xi32, #tpu.memory_space<hbm>>) dst(%arg7 : memref<25x80xi32, #tpu.memory_space<vmem>>)
        tpu.yield
      }) : () -> ()
      "tpu.region"() ({
        %run_scoped3A = tpu.sem_alloc : memref<!tpu.dma_semaphore, #tpu.memory_space<semaphore_mem>>
        %dma_start3A = arith.constant 0 : i32
        %dma_start3A_21 = arith.constant 0 : i32
        %dma_start3A_22 = tpu.memref_slice %arg3[%add3A_15, %add3A_12, %dma_start3A, %dma_start3A_21] : memref<32x5x25x80xi32, #tpu.memory_space<hbm>> -> memref<1x1x25x80xi32, #tpu.memory_space<hbm>>
        %dma_start3A_23 = tpu.memref_squeeze %dma_start3A_22 : memref<1x1x25x80xi32, #tpu.memory_space<hbm>> -> memref<25x80xi32, #tpu.memory_space<hbm>>
        %dma_start3A_24 = arith.constant 0 : i32
        %dma_start3A_25 = arith.constant 0 : i32
        %dma_start3A_26 = tpu.memref_slice %arg3[%add3A_15, %add3A_12, %dma_start3A_24, %dma_start3A_25] : memref<32x5x25x80xi32, #tpu.memory_space<hbm>> -> memref<1x1x25x80xi32, #tpu.memory_space<hbm>>
        %dma_start3A_27 = tpu.memref_squeeze %dma_start3A_26 : memref<1x1x25x80xi32, #tpu.memory_space<hbm>> -> memref<25x80xi32, #tpu.memory_space<hbm>>
        tpu.enqueue_dma source(%dma_start3A_27 : memref<25x80xi32, #tpu.memory_space<hbm>>) target(%arg8 : memref<25x80xi32, #tpu.memory_space<vmem>>) target_semaphore(%run_scoped3A : memref<!tpu.dma_semaphore, #tpu.memory_space<semaphore_mem>>)
        %dma_wait3A = arith.constant 0 : i32
        %dma_wait3A_28 = arith.constant 0 : i32
        %dma_wait3A_29 = tpu.memref_slice %arg3[%add3A_15, %add3A_12, %dma_wait3A, %dma_wait3A_28] : memref<32x5x25x80xi32, #tpu.memory_space<hbm>> -> memref<1x1x25x80xi32, #tpu.memory_space<hbm>>
        %dma_wait3A_30 = tpu.memref_squeeze %dma_wait3A_29 : memref<1x1x25x80xi32, #tpu.memory_space<hbm>> -> memref<25x80xi32, #tpu.memory_space<hbm>>
        %dma_wait3A_31 = arith.constant 0 : i32
        %dma_wait3A_32 = arith.constant 0 : i32
        %dma_wait3A_33 = tpu.memref_slice %arg3[%add3A_15, %add3A_12, %dma_wait3A_31, %dma_wait3A_32] : memref<32x5x25x80xi32, #tpu.memory_space<hbm>> -> memref<1x1x25x80xi32, #tpu.memory_space<hbm>>
        %dma_wait3A_34 = tpu.memref_squeeze %dma_wait3A_33 : memref<1x1x25x80xi32, #tpu.memory_space<hbm>> -> memref<25x80xi32, #tpu.memory_space<hbm>>
        tpu.wait_dma2 semaphore(%run_scoped3A : memref<!tpu.dma_semaphore, #tpu.memory_space<semaphore_mem>>) src(%dma_wait3A_34 : memref<25x80xi32, #tpu.memory_space<hbm>>) dst(%arg8 : memref<25x80xi32, #tpu.memory_space<vmem>>)
        tpu.yield
      }) : () -> ()
      %scan3A_16 = arith.constant 0 : i32
      %scan3A_17 = arith.constant 26 : i32
      %scan3A_18 = arith.addi %scan3A_16, %scan3A_17 : i32
      %scan3A_19 = arith.constant 1 : i32
      scf.for %scan3A_21 = %scan3A_16 to %scan3A_18 step %scan3A_19  : i32 {
        %mul3A_22 = arith.constant 1 : i32
        %mul3A_23 = arith.muli %scan3A_21, %mul3A_22 : i32
        %add3A_24 = arith.constant 0 : i32
        %add3A_25 = arith.addi %add3A_24, %mul3A_23 : i32
        %rem3A = arith.constant 2 : i32
        %rem3A_26 = arith.remsi %add3A_25, %rem3A : i32
        %lt3A = arith.constant 25 : i32
        %lt3A_27 = arith.cmpi slt, %add3A_25, %lt3A : i32
        %convert_element_type3A = arith.extui %lt3A_27 : i1 to i32
        %cond3A = arith.constant 0 : i32
        %cond3A_28 = arith.cmpi ne, %convert_element_type3A, %cond3A : i32
        scf.if %cond3A_28 {
          %dma_start3A = arith.constant 0 : i32
          %dma_start3A_33 = arith.constant 0 : i32
          %dma_start3A_34 = tpu.memref_slice %arg9[%rem3A_26, %dma_start3A, %dma_start3A_33] : memref<2x80x128xf32, #tpu.memory_space<vmem>> -> memref<1x80x128xf32, #tpu.memory_space<vmem>>
          %dma_start3A_35 = tpu.memref_squeeze %dma_start3A_34 : memref<1x80x128xf32, #tpu.memory_space<vmem>> -> memref<80x128xf32, #tpu.memory_space<vmem>>
          %dma_start3A_36 = arith.constant 0 : i32
          %dma_start3A_37 = tpu.memref_slice %arg7[%add3A_25, %dma_start3A_36] : memref<25x80xi32, #tpu.memory_space<vmem>> -> memref<1x80xi32, #tpu.memory_space<vmem>>
          %dma_start3A_38 = tpu.memref_squeeze %dma_start3A_37 : memref<1x80xi32, #tpu.memory_space<vmem>> -> memref<80xi32, #tpu.memory_space<vmem>>
          %dma_start3A_39 = arith.constant 0 : i32
          %dma_start3A_40 = arith.constant 0 : i32
          %dma_start3A_41 = tpu.memref_slice %arg4[%dma_start3A_39, %dma_start3A_40] : memref<10240x128xf32, #tpu.memory_space<hbm>> -> memref<10240x128xf32, #tpu.memory_space<hbm>>
          %dma_start3A_42 = tpu.memref_slice %arg11[%rem3A_26] : memref<2x!tpu.dma_semaphore, #tpu.memory_space<semaphore_mem>> -> memref<1x!tpu.dma_semaphore, #tpu.memory_space<semaphore_mem>>
          %dma_start3A_43 = tpu.memref_squeeze %dma_start3A_42 : memref<1x!tpu.dma_semaphore, #tpu.memory_space<semaphore_mem>> -> memref<!tpu.dma_semaphore, #tpu.memory_space<semaphore_mem>>
          tpu.enqueue_indirect_dma source(%dma_start3A_41 : memref<10240x128xf32, #tpu.memory_space<hbm>>) target(%dma_start3A_35 : memref<80x128xf32, #tpu.memory_space<vmem>>) offsets(%dma_start3A_38 : memref<80xi32, #tpu.memory_space<vmem>>) semaphore(%dma_start3A_43 : memref<!tpu.dma_semaphore, #tpu.memory_space<semaphore_mem>>)
        } else {
        }
        %ge3A = arith.constant 1 : i32
        %ge3A_29 = arith.cmpi sge, %add3A_25, %ge3A : i32
        %convert_element_type3A_30 = arith.extui %ge3A_29 : i1 to i32
        %cond3A_31 = arith.constant 0 : i32
        %cond3A_32 = arith.cmpi ne, %convert_element_type3A_30, %cond3A_31 : i32
        scf.if %cond3A_32 {
          %sub3A = arith.constant 1 : i32
          %sub3A_33 = arith.subi %sub3A, %rem3A_26 : i32
          %dma_wait3A = arith.constant 0 : i32
          %dma_wait3A_34 = arith.constant 0 : i32
          %dma_wait3A_35 = arith.constant 0 : i32
          %dma_wait3A_36 = tpu.memref_slice %arg9[%sub3A_33, %dma_wait3A_34, %dma_wait3A_35] : memref<2x80x128xf32, #tpu.memory_space<vmem>> -> memref<1x80x128xf32, #tpu.memory_space<vmem>>
          %dma_wait3A_37 = tpu.memref_squeeze %dma_wait3A_36 : memref<1x80x128xf32, #tpu.memory_space<vmem>> -> memref<80x128xf32, #tpu.memory_space<vmem>>
          %dma_wait3A_38 = arith.constant 0 : i32
          %dma_wait3A_39 = tpu.memref_slice %arg7[%dma_wait3A, %dma_wait3A_38] : memref<25x80xi32, #tpu.memory_space<vmem>> -> memref<1x80xi32, #tpu.memory_space<vmem>>
          %dma_wait3A_40 = tpu.memref_squeeze %dma_wait3A_39 : memref<1x80xi32, #tpu.memory_space<vmem>> -> memref<80xi32, #tpu.memory_space<vmem>>
          %dma_wait3A_41 = arith.constant 0 : i32
          %dma_wait3A_42 = arith.constant 0 : i32
          %dma_wait3A_43 = tpu.memref_slice %arg4[%dma_wait3A_41, %dma_wait3A_42] : memref<10240x128xf32, #tpu.memory_space<hbm>> -> memref<10240x128xf32, #tpu.memory_space<hbm>>
          %dma_wait3A_44 = tpu.memref_slice %arg11[%sub3A_33] : memref<2x!tpu.dma_semaphore, #tpu.memory_space<semaphore_mem>> -> memref<1x!tpu.dma_semaphore, #tpu.memory_space<semaphore_mem>>
          %dma_wait3A_45 = tpu.memref_squeeze %dma_wait3A_44 : memref<1x!tpu.dma_semaphore, #tpu.memory_space<semaphore_mem>> -> memref<!tpu.dma_semaphore, #tpu.memory_space<semaphore_mem>>
          tpu.wait_indirect_dma semaphore(%dma_wait3A_45 : memref<!tpu.dma_semaphore, #tpu.memory_space<semaphore_mem>>) src(%dma_wait3A_43 : memref<10240x128xf32, #tpu.memory_space<hbm>>) dst(%dma_wait3A_37 : memref<80x128xf32, #tpu.memory_space<vmem>>)
          %sub3A_46 = arith.constant 1 : i32
          %sub3A_47 = arith.subi %add3A_25, %sub3A_46 : i32
          "tpu.region"() ({
            %run_scoped3A = tpu.sem_alloc : memref<!tpu.dma_semaphore, #tpu.memory_space<semaphore_mem>>
            %dma_start3A = arith.constant 0 : i32
            %dma_start3A_48 = arith.constant 0 : i32
            %dma_start3A_49 = tpu.memref_slice %arg9[%sub3A_33, %dma_start3A, %dma_start3A_48] : memref<2x80x128xf32, #tpu.memory_space<vmem>> -> memref<1x80x128xf32, #tpu.memory_space<vmem>>
            %dma_start3A_50 = tpu.memref_squeeze %dma_start3A_49 : memref<1x80x128xf32, #tpu.memory_space<vmem>> -> memref<80x128xf32, #tpu.memory_space<vmem>>
            %dma_start3A_51 = arith.constant 0 : i32
            %dma_start3A_52 = tpu.memref_slice %arg8[%sub3A_47, %dma_start3A_51] : memref<25x80xi32, #tpu.memory_space<vmem>> -> memref<1x80xi32, #tpu.memory_space<vmem>>
            %dma_start3A_53 = tpu.memref_squeeze %dma_start3A_52 : memref<1x80xi32, #tpu.memory_space<vmem>> -> memref<80xi32, #tpu.memory_space<vmem>>
            %dma_start3A_54 = arith.constant 0 : i32
            %dma_start3A_55 = arith.constant 0 : i32
            %dma_start3A_56 = tpu.memref_slice %arg10[%dma_start3A_54, %dma_start3A_55] : memref<10240x128xf32, #tpu.memory_space<vmem_shared>> -> memref<10240x128xf32, #tpu.memory_space<vmem_shared>>
            tpu.enqueue_indirect_dma source(%dma_start3A_50 : memref<80x128xf32, #tpu.memory_space<vmem>>) target(%dma_start3A_56 : memref<10240x128xf32, #tpu.memory_space<vmem_shared>>) offsets(%dma_start3A_53 : memref<80xi32, #tpu.memory_space<vmem>>) semaphore(%run_scoped3A : memref<!tpu.dma_semaphore, #tpu.memory_space<semaphore_mem>>) {add = true}
            %dma_wait3A_57 = arith.constant 0 : i32
            %dma_wait3A_58 = arith.constant 0 : i32
            %dma_wait3A_59 = tpu.memref_slice %arg9[%sub3A_33, %dma_wait3A_57, %dma_wait3A_58] : memref<2x80x128xf32, #tpu.memory_space<vmem>> -> memref<1x80x128xf32, #tpu.memory_space<vmem>>
            %dma_wait3A_60 = tpu.memref_squeeze %dma_wait3A_59 : memref<1x80x128xf32, #tpu.memory_space<vmem>> -> memref<80x128xf32, #tpu.memory_space<vmem>>
            %dma_wait3A_61 = arith.constant 0 : i32
            %dma_wait3A_62 = tpu.memref_slice %arg8[%sub3A_47, %dma_wait3A_61] : memref<25x80xi32, #tpu.memory_space<vmem>> -> memref<1x80xi32, #tpu.memory_space<vmem>>
            %dma_wait3A_63 = tpu.memref_squeeze %dma_wait3A_62 : memref<1x80xi32, #tpu.memory_space<vmem>> -> memref<80xi32, #tpu.memory_space<vmem>>
            %dma_wait3A_64 = arith.constant 0 : i32
            %dma_wait3A_65 = arith.constant 0 : i32
            %dma_wait3A_66 = tpu.memref_slice %arg10[%dma_wait3A_64, %dma_wait3A_65] : memref<10240x128xf32, #tpu.memory_space<vmem_shared>> -> memref<10240x128xf32, #tpu.memory_space<vmem_shared>>
            tpu.wait_indirect_dma semaphore(%run_scoped3A : memref<!tpu.dma_semaphore, #tpu.memory_space<semaphore_mem>>) src(%dma_wait3A_60 : memref<80x128xf32, #tpu.memory_space<vmem>>) dst(%dma_wait3A_66 : memref<10240x128xf32, #tpu.memory_space<vmem_shared>>)
            tpu.yield
          }) : () -> ()
        } else {
        }
      }
      %scan3A_20 = arith.constant 26 : i32
    }
    %scan3A_6 = arith.constant 5 : i32
    %barrier3A_7 = arith.constant 0 : index
    tpu.barrier barrier_id(%barrier3A_7)
    %add3A = arith.addi %mul3A_2, %mul3A_0 : i32
    "tpu.region"() ({
      %run_scoped3A = tpu.sem_alloc : memref<!tpu.dma_semaphore, #tpu.memory_space<semaphore_mem>>
      %dma_start3A = arith.constant 0 : i32
      %dma_start3A_8 = tpu.memref_slice %arg6[%add3A, %dma_start3A] : memref<20480x128xf32, #tpu.memory_space<hbm>> -> memref<640x128xf32, #tpu.memory_space<hbm>>
      %dma_start3A_9 = arith.constant 0 : i32
      %dma_start3A_10 = tpu.memref_slice %arg10[%mul3A_0, %dma_start3A_9] : memref<10240x128xf32, #tpu.memory_space<vmem_shared>> -> memref<640x128xf32, #tpu.memory_space<vmem_shared>>
      tpu.enqueue_dma source(%dma_start3A_10 : memref<640x128xf32, #tpu.memory_space<vmem_shared>>) target(%dma_start3A_8 : memref<640x128xf32, #tpu.memory_space<hbm>>) target_semaphore(%run_scoped3A : memref<!tpu.dma_semaphore, #tpu.memory_space<semaphore_mem>>)
      %dma_wait3A = arith.constant 0 : i32
      %dma_wait3A_11 = tpu.memref_slice %arg6[%add3A, %dma_wait3A] : memref<20480x128xf32, #tpu.memory_space<hbm>> -> memref<640x128xf32, #tpu.memory_space<hbm>>
      %dma_wait3A_12 = arith.constant 0 : i32
      %dma_wait3A_13 = tpu.memref_slice %arg10[%mul3A_0, %dma_wait3A_12] : memref<10240x128xf32, #tpu.memory_space<vmem_shared>> -> memref<640x128xf32, #tpu.memory_space<vmem_shared>>
      tpu.wait_dma2 semaphore(%run_scoped3A : memref<!tpu.dma_semaphore, #tpu.memory_space<semaphore_mem>>) src(%dma_wait3A_13 : memref<640x128xf32, #tpu.memory_space<vmem_shared>>) dst(%dma_wait3A_11 : memref<640x128xf32, #tpu.memory_space<hbm>>)
      tpu.yield
    }) : () -> ()
    return
  }
}

#map = affine_map<(d0, d1) -> (0, 0, 0, 0)>
#map1 = affine_map<(d0, d1) -> (0, 0)>
module attributes {stable_mosaic.version = 14 : i64} {
  func.func @prop_kernel(%arg0: i32, %arg1: i32, %arg2: memref<16x10x25x80xi32, #tpu.memory_space<hbm>>, %arg3: memref<16x10x25x80xi32, #tpu.memory_space<hbm>>, %arg4: memref<20480x128xf32, #tpu.memory_space<hbm>>, %arg5: memref<10240x128xf32, #tpu.memory_space<hbm>>, %arg6: memref<20480x128xf32, #tpu.memory_space<hbm>>, %arg7: memref<25x80xi32, #tpu.memory_space<vmem>>, %arg8: memref<25x80xi32, #tpu.memory_space<vmem>>, %arg9: memref<2x80x128xf32, #tpu.memory_space<vmem>>, %arg10: memref<10240x128xf32, #tpu.memory_space<vmem_shared>>, %arg11: memref<2x!tpu.dma_semaphore, #tpu.memory_space<semaphore_mem>>) attributes {dimension_semantics = [#tpu.dimension_semantics<core_parallel>, #tpu.dimension_semantics<subcore_parallel>], iteration_bounds = array<i64: 2, 16>, scalar_prefetch = 0 : i64, scratch_operands = 5 : i64, tpu.core_type = #tpu.core_type<sc_vector_subcore>, window_params = [{transform_indices = #map}, {transform_indices = #map}, {transform_indices = #map1}, {transform_indices = #map1}, {transform_indices = #map1}]} {
    %mul3A = arith.constant 640 : i32
    %mul3A_0 = arith.muli %arg1, %mul3A : i32
    %mul3A_1 = arith.constant 10240 : i32
    %mul3A_2 = arith.muli %arg0, %mul3A_1 : i32
    "tpu.region"() ({
      %run_scoped3A = tpu.sem_alloc : memref<!tpu.dma_semaphore, #tpu.memory_space<semaphore_mem>>
      %dma_start3A = arith.constant 0 : i32
      %dma_start3A_8 = tpu.memref_slice %arg10[%mul3A_0, %dma_start3A] : memref<10240x128xf32, #tpu.memory_space<vmem_shared>> -> memref<640x128xf32, #tpu.memory_space<vmem_shared>>
      %dma_start3A_9 = arith.constant 0 : i32
      %dma_start3A_10 = tpu.memref_slice %arg5[%mul3A_0, %dma_start3A_9] : memref<10240x128xf32, #tpu.memory_space<hbm>> -> memref<640x128xf32, #tpu.memory_space<hbm>>
      tpu.enqueue_dma source(%dma_start3A_10 : memref<640x128xf32, #tpu.memory_space<hbm>>) target(%dma_start3A_8 : memref<640x128xf32, #tpu.memory_space<vmem_shared>>) target_semaphore(%run_scoped3A : memref<!tpu.dma_semaphore, #tpu.memory_space<semaphore_mem>>)
      %dma_wait3A = arith.constant 0 : i32
      %dma_wait3A_11 = tpu.memref_slice %arg10[%mul3A_0, %dma_wait3A] : memref<10240x128xf32, #tpu.memory_space<vmem_shared>> -> memref<640x128xf32, #tpu.memory_space<vmem_shared>>
      %dma_wait3A_12 = arith.constant 0 : i32
      %dma_wait3A_13 = tpu.memref_slice %arg5[%mul3A_0, %dma_wait3A_12] : memref<10240x128xf32, #tpu.memory_space<hbm>> -> memref<640x128xf32, #tpu.memory_space<hbm>>
      tpu.wait_dma2 semaphore(%run_scoped3A : memref<!tpu.dma_semaphore, #tpu.memory_space<semaphore_mem>>) src(%dma_wait3A_13 : memref<640x128xf32, #tpu.memory_space<hbm>>) dst(%dma_wait3A_11 : memref<640x128xf32, #tpu.memory_space<vmem_shared>>)
      tpu.yield
    }) : () -> ()
    %barrier3A = arith.constant 0 : index
    tpu.barrier barrier_id(%barrier3A)
    %scan3A = arith.constant 0 : i32
    %scan3A_3 = arith.constant 10 : i32
    %scan3A_4 = arith.addi %scan3A, %scan3A_3 : i32
    %scan3A_5 = arith.constant 1 : i32
    scf.for %scan3A_8 = %scan3A to %scan3A_4 step %scan3A_5  : i32 {
      %mul3A_9 = arith.constant 1 : i32
      %mul3A_10 = arith.muli %scan3A_8, %mul3A_9 : i32
      %add3A_11 = arith.constant 0 : i32
      %add3A_12 = arith.addi %add3A_11, %mul3A_10 : i32
      "tpu.region"() ({
        %run_scoped3A = tpu.sem_alloc : memref<!tpu.dma_semaphore, #tpu.memory_space<semaphore_mem>>
        %dma_start3A = arith.constant 0 : i32
        %dma_start3A_23 = arith.constant 0 : i32
        %dma_start3A_24 = tpu.memref_slice %arg2[%arg1, %add3A_12, %dma_start3A, %dma_start3A_23] : memref<16x10x25x80xi32, #tpu.memory_space<hbm>> -> memref<1x1x25x80xi32, #tpu.memory_space<hbm>>
        %dma_start3A_25 = tpu.memref_squeeze %dma_start3A_24 : memref<1x1x25x80xi32, #tpu.memory_space<hbm>> -> memref<25x80xi32, #tpu.memory_space<hbm>>
        %dma_start3A_26 = arith.constant 0 : i32
        %dma_start3A_27 = arith.constant 0 : i32
        %dma_start3A_28 = tpu.memref_slice %arg2[%arg1, %add3A_12, %dma_start3A_26, %dma_start3A_27] : memref<16x10x25x80xi32, #tpu.memory_space<hbm>> -> memref<1x1x25x80xi32, #tpu.memory_space<hbm>>
        %dma_start3A_29 = tpu.memref_squeeze %dma_start3A_28 : memref<1x1x25x80xi32, #tpu.memory_space<hbm>> -> memref<25x80xi32, #tpu.memory_space<hbm>>
        tpu.enqueue_dma source(%dma_start3A_29 : memref<25x80xi32, #tpu.memory_space<hbm>>) target(%arg7 : memref<25x80xi32, #tpu.memory_space<vmem>>) target_semaphore(%run_scoped3A : memref<!tpu.dma_semaphore, #tpu.memory_space<semaphore_mem>>)
        %dma_wait3A = arith.constant 0 : i32
        %dma_wait3A_30 = arith.constant 0 : i32
        %dma_wait3A_31 = tpu.memref_slice %arg2[%arg1, %add3A_12, %dma_wait3A, %dma_wait3A_30] : memref<16x10x25x80xi32, #tpu.memory_space<hbm>> -> memref<1x1x25x80xi32, #tpu.memory_space<hbm>>
        %dma_wait3A_32 = tpu.memref_squeeze %dma_wait3A_31 : memref<1x1x25x80xi32, #tpu.memory_space<hbm>> -> memref<25x80xi32, #tpu.memory_space<hbm>>
        %dma_wait3A_33 = arith.constant 0 : i32
        %dma_wait3A_34 = arith.constant 0 : i32
        %dma_wait3A_35 = tpu.memref_slice %arg2[%arg1, %add3A_12, %dma_wait3A_33, %dma_wait3A_34] : memref<16x10x25x80xi32, #tpu.memory_space<hbm>> -> memref<1x1x25x80xi32, #tpu.memory_space<hbm>>
        %dma_wait3A_36 = tpu.memref_squeeze %dma_wait3A_35 : memref<1x1x25x80xi32, #tpu.memory_space<hbm>> -> memref<25x80xi32, #tpu.memory_space<hbm>>
        tpu.wait_dma2 semaphore(%run_scoped3A : memref<!tpu.dma_semaphore, #tpu.memory_space<semaphore_mem>>) src(%dma_wait3A_36 : memref<25x80xi32, #tpu.memory_space<hbm>>) dst(%arg7 : memref<25x80xi32, #tpu.memory_space<vmem>>)
        tpu.yield
      }) : () -> ()
      "tpu.region"() ({
        %run_scoped3A = tpu.sem_alloc : memref<!tpu.dma_semaphore, #tpu.memory_space<semaphore_mem>>
        %dma_start3A = arith.constant 0 : i32
        %dma_start3A_23 = arith.constant 0 : i32
        %dma_start3A_24 = tpu.memref_slice %arg3[%arg1, %add3A_12, %dma_start3A, %dma_start3A_23] : memref<16x10x25x80xi32, #tpu.memory_space<hbm>> -> memref<1x1x25x80xi32, #tpu.memory_space<hbm>>
        %dma_start3A_25 = tpu.memref_squeeze %dma_start3A_24 : memref<1x1x25x80xi32, #tpu.memory_space<hbm>> -> memref<25x80xi32, #tpu.memory_space<hbm>>
        %dma_start3A_26 = arith.constant 0 : i32
        %dma_start3A_27 = arith.constant 0 : i32
        %dma_start3A_28 = tpu.memref_slice %arg3[%arg1, %add3A_12, %dma_start3A_26, %dma_start3A_27] : memref<16x10x25x80xi32, #tpu.memory_space<hbm>> -> memref<1x1x25x80xi32, #tpu.memory_space<hbm>>
        %dma_start3A_29 = tpu.memref_squeeze %dma_start3A_28 : memref<1x1x25x80xi32, #tpu.memory_space<hbm>> -> memref<25x80xi32, #tpu.memory_space<hbm>>
        tpu.enqueue_dma source(%dma_start3A_29 : memref<25x80xi32, #tpu.memory_space<hbm>>) target(%arg8 : memref<25x80xi32, #tpu.memory_space<vmem>>) target_semaphore(%run_scoped3A : memref<!tpu.dma_semaphore, #tpu.memory_space<semaphore_mem>>)
        %dma_wait3A = arith.constant 0 : i32
        %dma_wait3A_30 = arith.constant 0 : i32
        %dma_wait3A_31 = tpu.memref_slice %arg3[%arg1, %add3A_12, %dma_wait3A, %dma_wait3A_30] : memref<16x10x25x80xi32, #tpu.memory_space<hbm>> -> memref<1x1x25x80xi32, #tpu.memory_space<hbm>>
        %dma_wait3A_32 = tpu.memref_squeeze %dma_wait3A_31 : memref<1x1x25x80xi32, #tpu.memory_space<hbm>> -> memref<25x80xi32, #tpu.memory_space<hbm>>
        %dma_wait3A_33 = arith.constant 0 : i32
        %dma_wait3A_34 = arith.constant 0 : i32
        %dma_wait3A_35 = tpu.memref_slice %arg3[%arg1, %add3A_12, %dma_wait3A_33, %dma_wait3A_34] : memref<16x10x25x80xi32, #tpu.memory_space<hbm>> -> memref<1x1x25x80xi32, #tpu.memory_space<hbm>>
        %dma_wait3A_36 = tpu.memref_squeeze %dma_wait3A_35 : memref<1x1x25x80xi32, #tpu.memory_space<hbm>> -> memref<25x80xi32, #tpu.memory_space<hbm>>
        tpu.wait_dma2 semaphore(%run_scoped3A : memref<!tpu.dma_semaphore, #tpu.memory_space<semaphore_mem>>) src(%dma_wait3A_36 : memref<25x80xi32, #tpu.memory_space<hbm>>) dst(%arg8 : memref<25x80xi32, #tpu.memory_space<vmem>>)
        tpu.yield
      }) : () -> ()
      %scan3A_13 = arith.constant 0 : i32
      %scan3A_14 = arith.constant 25 : i32
      %scan3A_15 = arith.addi %scan3A_13, %scan3A_14 : i32
      %scan3A_16 = arith.constant 1 : i32
      scf.for %scan3A_23 = %scan3A_13 to %scan3A_15 step %scan3A_16  : i32 {
        %mul3A_24 = arith.constant 1 : i32
        %mul3A_25 = arith.muli %scan3A_23, %mul3A_24 : i32
        %add3A_26 = arith.constant 0 : i32
        %add3A_27 = arith.addi %add3A_26, %mul3A_25 : i32
        %scan3A_28 = arith.constant 0 : i32
        %scan3A_29 = arith.constant 5 : i32
        %scan3A_30 = arith.addi %scan3A_28, %scan3A_29 : i32
        %scan3A_31 = arith.constant 1 : i32
        scf.for %scan3A_33 = %scan3A_28 to %scan3A_30 step %scan3A_31  : i32 {
          %mul3A_34 = arith.constant 1 : i32
          %mul3A_35 = arith.muli %scan3A_33, %mul3A_34 : i32
          %add3A_36 = arith.constant 0 : i32
          %add3A_37 = arith.addi %add3A_36, %mul3A_35 : i32
          %mul3A_38 = arith.constant 16 : i32
          %mul3A_39 = arith.muli %add3A_37, %mul3A_38 : i32
          %get3A = arith.index_cast %add3A_27 : i32 to index
          %get3A_40 = arith.index_cast %mul3A_39 : i32 to index
          %get3A_41 = tpu.vector_load %arg7[%get3A, %get3A_40] {strides = array<i32>} : memref<25x80xi32, #tpu.memory_space<vmem>>, vector<1x16xi32>,
          %get3A_42 = vector.shape_cast %get3A_41 : vector<1x16xi32> to vector<16xi32>
          %add3A_43 = vector.broadcast %mul3A_2 : i32 to vector<16xi32>
          %add3A_44 = arith.addi %get3A_42, %add3A_43 : vector<16xi32>
          %mul3A_45 = arith.constant 16 : i32
          %mul3A_46 = arith.muli %add3A_37, %mul3A_45 : i32
          %swap3A = arith.index_cast %add3A_27 : i32 to index
          %swap3A_47 = arith.index_cast %mul3A_46 : i32 to index
          %swap3A_48 = tpu.vector_load %arg7[%swap3A, %swap3A_47] {strides = array<i32>} : memref<25x80xi32, #tpu.memory_space<vmem>>, vector<1x16xi32>,
          %swap3A_49 = vector.shape_cast %swap3A_48 : vector<1x16xi32> to vector<16xi32>
          %swap3A_50 = vector.shape_cast %add3A_44 : vector<16xi32> to vector<1x16xi32>
          tpu.vector_store %arg7[%swap3A, %swap3A_47], %swap3A_50 {strides = array<i32>} : memref<25x80xi32, #tpu.memory_space<vmem>>, vector<1x16xi32>,
        }
        %scan3A_32 = arith.constant 5 : i32
      }
      %scan3A_17 = arith.constant 25 : i32
      %scan3A_18 = arith.constant 0 : i32
      %scan3A_19 = arith.constant 26 : i32
      %scan3A_20 = arith.addi %scan3A_18, %scan3A_19 : i32
      %scan3A_21 = arith.constant 1 : i32
      scf.for %scan3A_23 = %scan3A_18 to %scan3A_20 step %scan3A_21  : i32 {
        %mul3A_24 = arith.constant 1 : i32
        %mul3A_25 = arith.muli %scan3A_23, %mul3A_24 : i32
        %add3A_26 = arith.constant 0 : i32
        %add3A_27 = arith.addi %add3A_26, %mul3A_25 : i32
        %rem3A = arith.constant 2 : i32
        %rem3A_28 = arith.remsi %add3A_27, %rem3A : i32
        %lt3A = arith.constant 25 : i32
        %lt3A_29 = arith.cmpi slt, %add3A_27, %lt3A : i32
        %convert_element_type3A = arith.extui %lt3A_29 : i1 to i32
        %cond3A = arith.constant 0 : i32
        %cond3A_30 = arith.cmpi ne, %convert_element_type3A, %cond3A : i32
        scf.if %cond3A_30 {
          %dma_start3A = arith.constant 0 : i32
          %dma_start3A_35 = arith.constant 0 : i32
          %dma_start3A_36 = tpu.memref_slice %arg9[%rem3A_28, %dma_start3A, %dma_start3A_35] : memref<2x80x128xf32, #tpu.memory_space<vmem>> -> memref<1x80x128xf32, #tpu.memory_space<vmem>>
          %dma_start3A_37 = tpu.memref_squeeze %dma_start3A_36 : memref<1x80x128xf32, #tpu.memory_space<vmem>> -> memref<80x128xf32, #tpu.memory_space<vmem>>
          %dma_start3A_38 = arith.constant 0 : i32
          %dma_start3A_39 = tpu.memref_slice %arg7[%add3A_27, %dma_start3A_38] : memref<25x80xi32, #tpu.memory_space<vmem>> -> memref<1x80xi32, #tpu.memory_space<vmem>>
          %dma_start3A_40 = tpu.memref_squeeze %dma_start3A_39 : memref<1x80xi32, #tpu.memory_space<vmem>> -> memref<80xi32, #tpu.memory_space<vmem>>
          %dma_start3A_41 = arith.constant 0 : i32
          %dma_start3A_42 = arith.constant 0 : i32
          %dma_start3A_43 = tpu.memref_slice %arg4[%dma_start3A_41, %dma_start3A_42] : memref<20480x128xf32, #tpu.memory_space<hbm>> -> memref<20480x128xf32, #tpu.memory_space<hbm>>
          %dma_start3A_44 = tpu.memref_slice %arg11[%rem3A_28] : memref<2x!tpu.dma_semaphore, #tpu.memory_space<semaphore_mem>> -> memref<1x!tpu.dma_semaphore, #tpu.memory_space<semaphore_mem>>
          %dma_start3A_45 = tpu.memref_squeeze %dma_start3A_44 : memref<1x!tpu.dma_semaphore, #tpu.memory_space<semaphore_mem>> -> memref<!tpu.dma_semaphore, #tpu.memory_space<semaphore_mem>>
          tpu.enqueue_indirect_dma source(%dma_start3A_43 : memref<20480x128xf32, #tpu.memory_space<hbm>>) target(%dma_start3A_37 : memref<80x128xf32, #tpu.memory_space<vmem>>) offsets(%dma_start3A_40 : memref<80xi32, #tpu.memory_space<vmem>>) semaphore(%dma_start3A_45 : memref<!tpu.dma_semaphore, #tpu.memory_space<semaphore_mem>>)
        } else {
        }
        %ge3A = arith.constant 1 : i32
        %ge3A_31 = arith.cmpi sge, %add3A_27, %ge3A : i32
        %convert_element_type3A_32 = arith.extui %ge3A_31 : i1 to i32
        %cond3A_33 = arith.constant 0 : i32
        %cond3A_34 = arith.cmpi ne, %convert_element_type3A_32, %cond3A_33 : i32
        scf.if %cond3A_34 {
          %sub3A = arith.constant 1 : i32
          %sub3A_35 = arith.subi %sub3A, %rem3A_28 : i32
          %dma_wait3A = arith.constant 0 : i32
          %dma_wait3A_36 = arith.constant 0 : i32
          %dma_wait3A_37 = arith.constant 0 : i32
          %dma_wait3A_38 = tpu.memref_slice %arg9[%sub3A_35, %dma_wait3A_36, %dma_wait3A_37] : memref<2x80x128xf32, #tpu.memory_space<vmem>> -> memref<1x80x128xf32, #tpu.memory_space<vmem>>
          %dma_wait3A_39 = tpu.memref_squeeze %dma_wait3A_38 : memref<1x80x128xf32, #tpu.memory_space<vmem>> -> memref<80x128xf32, #tpu.memory_space<vmem>>
          %dma_wait3A_40 = arith.constant 0 : i32
          %dma_wait3A_41 = tpu.memref_slice %arg7[%dma_wait3A, %dma_wait3A_40] : memref<25x80xi32, #tpu.memory_space<vmem>> -> memref<1x80xi32, #tpu.memory_space<vmem>>
          %dma_wait3A_42 = tpu.memref_squeeze %dma_wait3A_41 : memref<1x80xi32, #tpu.memory_space<vmem>> -> memref<80xi32, #tpu.memory_space<vmem>>
          %dma_wait3A_43 = arith.constant 0 : i32
          %dma_wait3A_44 = arith.constant 0 : i32
          %dma_wait3A_45 = tpu.memref_slice %arg4[%dma_wait3A_43, %dma_wait3A_44] : memref<20480x128xf32, #tpu.memory_space<hbm>> -> memref<20480x128xf32, #tpu.memory_space<hbm>>
          %dma_wait3A_46 = tpu.memref_slice %arg11[%sub3A_35] : memref<2x!tpu.dma_semaphore, #tpu.memory_space<semaphore_mem>> -> memref<1x!tpu.dma_semaphore, #tpu.memory_space<semaphore_mem>>
          %dma_wait3A_47 = tpu.memref_squeeze %dma_wait3A_46 : memref<1x!tpu.dma_semaphore, #tpu.memory_space<semaphore_mem>> -> memref<!tpu.dma_semaphore, #tpu.memory_space<semaphore_mem>>
          tpu.wait_indirect_dma semaphore(%dma_wait3A_47 : memref<!tpu.dma_semaphore, #tpu.memory_space<semaphore_mem>>) src(%dma_wait3A_45 : memref<20480x128xf32, #tpu.memory_space<hbm>>) dst(%dma_wait3A_39 : memref<80x128xf32, #tpu.memory_space<vmem>>)
          %sub3A_48 = arith.constant 1 : i32
          %sub3A_49 = arith.subi %add3A_27, %sub3A_48 : i32
          "tpu.region"() ({
            %run_scoped3A = tpu.sem_alloc : memref<!tpu.dma_semaphore, #tpu.memory_space<semaphore_mem>>
            %dma_start3A = arith.constant 0 : i32
            %dma_start3A_50 = arith.constant 0 : i32
            %dma_start3A_51 = tpu.memref_slice %arg9[%sub3A_35, %dma_start3A, %dma_start3A_50] : memref<2x80x128xf32, #tpu.memory_space<vmem>> -> memref<1x80x128xf32, #tpu.memory_space<vmem>>
            %dma_start3A_52 = tpu.memref_squeeze %dma_start3A_51 : memref<1x80x128xf32, #tpu.memory_space<vmem>> -> memref<80x128xf32, #tpu.memory_space<vmem>>
            %dma_start3A_53 = arith.constant 0 : i32
            %dma_start3A_54 = tpu.memref_slice %arg8[%sub3A_49, %dma_start3A_53] : memref<25x80xi32, #tpu.memory_space<vmem>> -> memref<1x80xi32, #tpu.memory_space<vmem>>
            %dma_start3A_55 = tpu.memref_squeeze %dma_start3A_54 : memref<1x80xi32, #tpu.memory_space<vmem>> -> memref<80xi32, #tpu.memory_space<vmem>>
            %dma_start3A_56 = arith.constant 0 : i32
            %dma_start3A_57 = arith.constant 0 : i32
            %dma_start3A_58 = tpu.memref_slice %arg10[%dma_start3A_56, %dma_start3A_57] : memref<10240x128xf32, #tpu.memory_space<vmem_shared>> -> memref<10240x128xf32, #tpu.memory_space<vmem_shared>>
            tpu.enqueue_indirect_dma source(%dma_start3A_52 : memref<80x128xf32, #tpu.memory_space<vmem>>) target(%dma_start3A_58 : memref<10240x128xf32, #tpu.memory_space<vmem_shared>>) offsets(%dma_start3A_55 : memref<80xi32, #tpu.memory_space<vmem>>) semaphore(%run_scoped3A : memref<!tpu.dma_semaphore, #tpu.memory_space<semaphore_mem>>) {add = true}
            %dma_wait3A_59 = arith.constant 0 : i32
            %dma_wait3A_60 = arith.constant 0 : i32
            %dma_wait3A_61 = tpu.memref_slice %arg9[%sub3A_35, %dma_wait3A_59, %dma_wait3A_60] : memref<2x80x128xf32, #tpu.memory_space<vmem>> -> memref<1x80x128xf32, #tpu.memory_space<vmem>>
            %dma_wait3A_62 = tpu.memref_squeeze %dma_wait3A_61 : memref<1x80x128xf32, #tpu.memory_space<vmem>> -> memref<80x128xf32, #tpu.memory_space<vmem>>
            %dma_wait3A_63 = arith.constant 0 : i32
            %dma_wait3A_64 = tpu.memref_slice %arg8[%sub3A_49, %dma_wait3A_63] : memref<25x80xi32, #tpu.memory_space<vmem>> -> memref<1x80xi32, #tpu.memory_space<vmem>>
            %dma_wait3A_65 = tpu.memref_squeeze %dma_wait3A_64 : memref<1x80xi32, #tpu.memory_space<vmem>> -> memref<80xi32, #tpu.memory_space<vmem>>
            %dma_wait3A_66 = arith.constant 0 : i32
            %dma_wait3A_67 = arith.constant 0 : i32
            %dma_wait3A_68 = tpu.memref_slice %arg10[%dma_wait3A_66, %dma_wait3A_67] : memref<10240x128xf32, #tpu.memory_space<vmem_shared>> -> memref<10240x128xf32, #tpu.memory_space<vmem_shared>>
            tpu.wait_indirect_dma semaphore(%run_scoped3A : memref<!tpu.dma_semaphore, #tpu.memory_space<semaphore_mem>>) src(%dma_wait3A_62 : memref<80x128xf32, #tpu.memory_space<vmem>>) dst(%dma_wait3A_68 : memref<10240x128xf32, #tpu.memory_space<vmem_shared>>)
            tpu.yield
          }) : () -> ()
        } else {
        }
      }
      %scan3A_22 = arith.constant 26 : i32
    }
    %scan3A_6 = arith.constant 10 : i32
    %barrier3A_7 = arith.constant 0 : index
    tpu.barrier barrier_id(%barrier3A_7)
    %add3A = arith.addi %mul3A_2, %mul3A_0 : i32
    "tpu.region"() ({
      %run_scoped3A = tpu.sem_alloc : memref<!tpu.dma_semaphore, #tpu.memory_space<semaphore_mem>>
      %dma_start3A = arith.constant 0 : i32
      %dma_start3A_8 = tpu.memref_slice %arg6[%add3A, %dma_start3A] : memref<20480x128xf32, #tpu.memory_space<hbm>> -> memref<640x128xf32, #tpu.memory_space<hbm>>
      %dma_start3A_9 = arith.constant 0 : i32
      %dma_start3A_10 = tpu.memref_slice %arg10[%mul3A_0, %dma_start3A_9] : memref<10240x128xf32, #tpu.memory_space<vmem_shared>> -> memref<640x128xf32, #tpu.memory_space<vmem_shared>>
      tpu.enqueue_dma source(%dma_start3A_10 : memref<640x128xf32, #tpu.memory_space<vmem_shared>>) target(%dma_start3A_8 : memref<640x128xf32, #tpu.memory_space<hbm>>) target_semaphore(%run_scoped3A : memref<!tpu.dma_semaphore, #tpu.memory_space<semaphore_mem>>)
      %dma_wait3A = arith.constant 0 : i32
      %dma_wait3A_11 = tpu.memref_slice %arg6[%add3A, %dma_wait3A] : memref<20480x128xf32, #tpu.memory_space<hbm>> -> memref<640x128xf32, #tpu.memory_space<hbm>>
      %dma_wait3A_12 = arith.constant 0 : i32
      %dma_wait3A_13 = tpu.memref_slice %arg10[%mul3A_0, %dma_wait3A_12] : memref<10240x128xf32, #tpu.memory_space<vmem_shared>> -> memref<640x128xf32, #tpu.memory_space<vmem_shared>>
      tpu.wait_dma2 semaphore(%run_scoped3A : memref<!tpu.dma_semaphore, #tpu.memory_space<semaphore_mem>>) src(%dma_wait3A_13 : memref<640x128xf32, #tpu.memory_space<vmem_shared>>) dst(%dma_wait3A_11 : memref<640x128xf32, #tpu.memory_space<hbm>>)
      tpu.yield
    }) : () -> ()
    return
  }
}

module attributes {stable_mosaic.version = 14 : i64} {
  func.func @_scale_body(%arg0: i32, %arg1: memref<1024x128xf32, #tpu.memory_space<vmem>>, %arg2: memref<1x1024x128xf32, #tpu.memory_space<vmem>>, %arg3: memref<1x1024x128xf32, #tpu.memory_space<vmem>>, %arg4: memref<1024x128xf32, #tpu.memory_space<vmem>>, %arg5: memref<1024x128xf32, #tpu.memory_space<vmem>>) attributes {dimension_semantics = [#tpu.dimension_semantics<arbitrary>], iteration_bounds = array<i64: 10>, scalar_prefetch = 0 : i64, scratch_operands = 0 : i64, tpu.core_type = #tpu.core_type<tc>, window_params = [{transform_indices = @transform_0, window_bounds = array<i64: 1024, 128>}, {transform_indices = @transform_1, window_bounds = array<i64: 1, 1024, 128>}, {transform_indices = @transform_2, window_bounds = array<i64: 1, 1024, 128>}, {transform_indices = @transform_3, window_bounds = array<i64: 1024, 128>}, {transform_indices = @transform_4, window_bounds = array<i64: 1024, 128>}]} {
    %get3A = arith.constant 0 : index
    %get3A_0 = arith.constant 0 : index
    %get3A_1 = arith.constant 0 : index
    %get3A_2 = vector.load %arg2[%get3A, %get3A_0, %get3A_1] : memref<1x1024x128xf32, #tpu.memory_space<vmem>>, vector<1x1024x1xf32>
    %get3A_3 = vector.shape_cast %get3A_2 : vector<1x1024x1xf32> to vector<1024x1xf32>
    %get3A_4 = arith.constant 0 : index
    %get3A_5 = arith.constant 0 : index
    %get3A_6 = arith.constant 0 : index
    %get3A_7 = vector.load %arg3[%get3A_4, %get3A_5, %get3A_6] : memref<1x1024x128xf32, #tpu.memory_space<vmem>>, vector<1x1024x1xf32>
    %get3A_8 = vector.shape_cast %get3A_7 : vector<1x1024x1xf32> to vector<1024x1xf32>
    %add3A = arith.addf %get3A_3, %get3A_8 : vector<1024x1xf32>
    %add3A_9 = arith.constant 1.000000e+00 : f32
    %add3A_10 = vector.broadcast %add3A_9 : f32 to vector<1024x1xf32>
    %add3A_11 = arith.addf %add3A, %add3A_10 : vector<1024x1xf32>
    %rsqrt3A = math.rsqrt %add3A_11 : vector<1024x1xf32>
    %get3A_12 = arith.constant 0 : index
    %get3A_13 = arith.constant 0 : index
    %get3A_14 = vector.load %arg1[%get3A_12, %get3A_13] : memref<1024x128xf32, #tpu.memory_space<vmem>>, vector<1024x128xf32>
    %mul3A = vector.broadcast %rsqrt3A : vector<1024x1xf32> to vector<1024x128xf32>
    %mul3A_15 = arith.mulf %get3A_14, %mul3A : vector<1024x128xf32>
    %swap3A = arith.constant 0 : index
    %swap3A_16 = arith.constant 0 : index
    %swap3A_17 = vector.load %arg4[%swap3A, %swap3A_16] : memref<1024x128xf32, #tpu.memory_space<vmem>>, vector<1024x128xf32>
    tpu.vector_store %arg4[%swap3A, %swap3A_16], %mul3A_15 {strides = array<i32>} : memref<1024x128xf32, #tpu.memory_space<vmem>>, vector<1024x128xf32>,
    %broadcast_in_dim3A = vector.shape_cast %rsqrt3A : vector<1024x1xf32> to vector<1024x1xf32>
    %broadcast_in_dim3A_18 = vector.broadcast %broadcast_in_dim3A : vector<1024x1xf32> to vector<1024x128xf32>
    %swap3A_19 = arith.constant 0 : index
    %swap3A_20 = arith.constant 0 : index
    %swap3A_21 = vector.load %arg5[%swap3A_19, %swap3A_20] : memref<1024x128xf32, #tpu.memory_space<vmem>>, vector<1024x128xf32>
    tpu.vector_store %arg5[%swap3A_19, %swap3A_20], %broadcast_in_dim3A_18 {strides = array<i32>} : memref<1024x128xf32, #tpu.memory_space<vmem>>, vector<1024x128xf32>,
    return
  }
  func.func @transform_0(%arg0: i32) -> (i32, i32) {
    %c0_i32 = arith.constant 0 : i32
    %c0_i32_0 = arith.constant 0 : i32
    return %arg0, %c0_i32 : i32, i32
  }
  func.func @transform_1(%arg0: i32) -> (i32, i32, i32) {
    %c0_i32 = arith.constant 0 : i32
    %c0_i32_0 = arith.constant 0 : i32
    %c0_i32_1 = arith.constant 0 : i32
    return %c0_i32, %arg0, %c0_i32_0 : i32, i32, i32
  }
  func.func @transform_2(%arg0: i32) -> (i32, i32, i32) {
    %c1_i32 = arith.constant 1 : i32
    %c0_i32 = arith.constant 0 : i32
    %c0_i32_0 = arith.constant 0 : i32
    return %c1_i32, %arg0, %c0_i32 : i32, i32, i32
  }
  func.func @transform_3(%arg0: i32) -> (i32, i32) {
    %c0_i32 = arith.constant 0 : i32
    %c0_i32_0 = arith.constant 0 : i32
    return %arg0, %c0_i32 : i32, i32
  }
  func.func @transform_4(%arg0: i32) -> (i32, i32) {
    %c0_i32 = arith.constant 0 : i32
    %c0_i32_0 = arith.constant 0 : i32
    return %arg0, %c0_i32 : i32, i32
  }
}

module attributes {stable_mosaic.version = 14 : i64} {
  func.func @_layer1_body(%arg0: i32, %arg1: memref<1024x128xf32, #tpu.memory_space<vmem>>, %arg2: memref<1024x128xf32, #tpu.memory_space<vmem>>, %arg3: memref<1024x128xf32, #tpu.memory_space<vmem>>, %arg4: memref<1024x128xf32, #tpu.memory_space<vmem>>, %arg5: memref<128x256xf32, #tpu.memory_space<vmem>>, %arg6: memref<1x256xf32, #tpu.memory_space<vmem>>, %arg7: memref<2x1024x128xf32, #tpu.memory_space<vmem>>) attributes {dimension_semantics = [#tpu.dimension_semantics<arbitrary>], iteration_bounds = array<i64: 10>, scalar_prefetch = 0 : i64, scratch_operands = 0 : i64, tpu.core_type = #tpu.core_type<tc>, window_params = [{transform_indices = @transform_0, window_bounds = array<i64: 1024, 128>}, {transform_indices = @transform_1, window_bounds = array<i64: 1024, 128>}, {transform_indices = @transform_2, window_bounds = array<i64: 1024, 128>}, {transform_indices = @transform_3, window_bounds = array<i64: 1024, 128>}, {pipeline_mode = #tpu.pipeline_mode<synchronous>, transform_indices = @transform_4, window_bounds = array<i64: 128, 256>}, {pipeline_mode = #tpu.pipeline_mode<synchronous>, transform_indices = @transform_5, window_bounds = array<i64: 1, 256>}, {transform_indices = @transform_6, window_bounds = array<i64: 2, 1024, 128>}]} {
    %get3A = arith.constant 0 : index
    %get3A_0 = arith.constant 0 : index
    %get3A_1 = vector.load %arg4[%get3A, %get3A_0] : memref<1024x128xf32, #tpu.memory_space<vmem>>, vector<1024x128xf32>
    %get3A_2 = arith.constant 0 : index
    %get3A_3 = arith.constant 0 : index
    %get3A_4 = vector.load %arg1[%get3A_2, %get3A_3] : memref<1024x128xf32, #tpu.memory_space<vmem>>, vector<1024x128xf32>
    %get3A_5 = arith.constant 0 : index
    %get3A_6 = arith.constant 0 : index
    %get3A_7 = vector.load %arg2[%get3A_5, %get3A_6] : memref<1024x128xf32, #tpu.memory_space<vmem>>, vector<1024x128xf32>
    %add3A = arith.addf %get3A_4, %get3A_7 : vector<1024x128xf32>
    %get3A_8 = arith.constant 0 : index
    %get3A_9 = arith.constant 0 : index
    %get3A_10 = vector.load %arg3[%get3A_8, %get3A_9] : memref<1024x128xf32, #tpu.memory_space<vmem>>, vector<1024x128xf32>
    %add3A_11 = arith.addf %add3A, %get3A_10 : vector<1024x128xf32>
    %mul3A = arith.mulf %add3A_11, %get3A_1 : vector<1024x128xf32>
    %get3A_12 = arith.constant 0 : index
    %get3A_13 = arith.constant 0 : index
    %get3A_14 = vector.load %arg5[%get3A_12, %get3A_13] : memref<128x256xf32, #tpu.memory_space<vmem>>, vector<128x256xf32>
    %dot_general3A = arith.constant dense<0.000000e+00> : vector<1024x256xf32>
    %dot_general3A_15 = tpu.matmul %mul3A, %get3A_14, %dot_general3A {dimension_numbers = #tpu.dot_dimension_numbers<[1], [0], [0], [1], [0, 0, 1, 1], [], []>, transpose_lhs_hint = false} : vector<1024x128xf32>, vector<128x256xf32>, vector<1024x256xf32> -> vector<1024x256xf32>
    %get3A_16 = arith.constant 0 : index
    %get3A_17 = arith.constant 0 : index
    %get3A_18 = vector.load %arg6[%get3A_16, %get3A_17] : memref<1x256xf32, #tpu.memory_space<vmem>>, vector<1x256xf32>
    %add3A_19 = vector.broadcast %get3A_18 : vector<1x256xf32> to vector<1024x256xf32>
    %add3A_20 = arith.addf %dot_general3A_15, %add3A_19 : vector<1024x256xf32>
    %max3A = arith.constant 0.000000e+00 : f32
    %max3A_21 = vector.broadcast %max3A : f32 to vector<1024x256xf32>
    %max3A_22 = arith.maximumf %add3A_20, %max3A_21 : vector<1024x256xf32>
    %slice3A = vector.extract_strided_slice %max3A_22 {offsets = [0, 0], sizes = [1024, 128], strides = [1, 1]} : vector<1024x256xf32> to vector<1024x128xf32>
    %mul3A_23 = arith.mulf %slice3A, %get3A_1 : vector<1024x128xf32>
    %swap3A = arith.constant 0 : index
    %swap3A_24 = arith.constant 0 : index
    %swap3A_25 = arith.constant 0 : index
    %swap3A_26 = vector.load %arg7[%swap3A, %swap3A_24, %swap3A_25] : memref<2x1024x128xf32, #tpu.memory_space<vmem>>, vector<1x1024x128xf32>
    %swap3A_27 = vector.shape_cast %swap3A_26 : vector<1x1024x128xf32> to vector<1024x128xf32>
    %swap3A_28 = vector.shape_cast %mul3A_23 : vector<1024x128xf32> to vector<1x1024x128xf32>
    tpu.vector_store %arg7[%swap3A, %swap3A_24, %swap3A_25], %swap3A_28 {strides = array<i32>} : memref<2x1024x128xf32, #tpu.memory_space<vmem>>, vector<1x1024x128xf32>,
    %slice3A_29 = vector.extract_strided_slice %max3A_22 {offsets = [0, 128], sizes = [1024, 128], strides = [1, 1]} : vector<1024x256xf32> to vector<1024x128xf32>
    %mul3A_30 = arith.mulf %slice3A_29, %get3A_1 : vector<1024x128xf32>
    %swap3A_31 = arith.constant 1 : index
    %swap3A_32 = arith.constant 0 : index
    %swap3A_33 = arith.constant 0 : index
    %swap3A_34 = vector.load %arg7[%swap3A_31, %swap3A_32, %swap3A_33] : memref<2x1024x128xf32, #tpu.memory_space<vmem>>, vector<1x1024x128xf32>
    %swap3A_35 = vector.shape_cast %swap3A_34 : vector<1x1024x128xf32> to vector<1024x128xf32>
    %swap3A_36 = vector.shape_cast %mul3A_30 : vector<1024x128xf32> to vector<1x1024x128xf32>
    tpu.vector_store %arg7[%swap3A_31, %swap3A_32, %swap3A_33], %swap3A_36 {strides = array<i32>} : memref<2x1024x128xf32, #tpu.memory_space<vmem>>, vector<1x1024x128xf32>,
    return
  }
  func.func @transform_0(%arg0: i32) -> (i32, i32) {
    %c0_i32 = arith.constant 0 : i32
    %c0_i32_0 = arith.constant 0 : i32
    return %arg0, %c0_i32 : i32, i32
  }
  func.func @transform_1(%arg0: i32) -> (i32, i32) {
    %add3A = arith.constant 10 : i32
    %add3A_0 = arith.addi %arg0, %add3A : i32
    %c0_i32 = arith.constant 0 : i32
    %c0_i32_1 = arith.constant 0 : i32
    return %add3A_0, %c0_i32 : i32, i32
  }
  func.func @transform_2(%arg0: i32) -> (i32, i32) {
    %c0_i32 = arith.constant 0 : i32
    %c0_i32_0 = arith.constant 0 : i32
    return %arg0, %c0_i32 : i32, i32
  }
  func.func @transform_3(%arg0: i32) -> (i32, i32) {
    %c0_i32 = arith.constant 0 : i32
    %c0_i32_0 = arith.constant 0 : i32
    return %arg0, %c0_i32 : i32, i32
  }
  func.func @transform_4(%arg0: i32) -> (i32, i32) {
    %c0_i32 = arith.constant 0 : i32
    %c0_i32_0 = arith.constant 0 : i32
    %c0_i32_1 = arith.constant 0 : i32
    return %c0_i32, %c0_i32_0 : i32, i32
  }
  func.func @transform_5(%arg0: i32) -> (i32, i32) {
    %c0_i32 = arith.constant 0 : i32
    %c0_i32_0 = arith.constant 0 : i32
    %c0_i32_1 = arith.constant 0 : i32
    return %c0_i32, %c0_i32_0 : i32, i32
  }
  func.func @transform_6(%arg0: i32) -> (i32, i32, i32) {
    %c0_i32 = arith.constant 0 : i32
    %c0_i32_0 = arith.constant 0 : i32
    %c0_i32_1 = arith.constant 0 : i32
    return %c0_i32, %arg0, %c0_i32_0 : i32, i32, i32
  }
}

module attributes {stable_mosaic.version = 14 : i64} {
  func.func @_final_body(%arg0: i32, %arg1: memref<1024x128xf32, #tpu.memory_space<vmem>>, %arg2: memref<1024x128xf32, #tpu.memory_space<vmem>>, %arg3: memref<1024x128xf32, #tpu.memory_space<vmem>>, %arg4: memref<1024x128xf32, #tpu.memory_space<vmem>>, %arg5: memref<1024x128xf32, #tpu.memory_space<vmem>>, %arg6: memref<256x256xf32, #tpu.memory_space<vmem>>, %arg7: memref<1x256xf32, #tpu.memory_space<vmem>>, %arg8: memref<1024x256xf32, #tpu.memory_space<vmem>>) attributes {dimension_semantics = [#tpu.dimension_semantics<arbitrary>], iteration_bounds = array<i64: 10>, scalar_prefetch = 0 : i64, scratch_operands = 0 : i64, tpu.core_type = #tpu.core_type<tc>, window_params = [{transform_indices = @transform_0, window_bounds = array<i64: 1024, 128>}, {transform_indices = @transform_1, window_bounds = array<i64: 1024, 128>}, {transform_indices = @transform_2, window_bounds = array<i64: 1024, 128>}, {transform_indices = @transform_3, window_bounds = array<i64: 1024, 128>}, {transform_indices = @transform_4, window_bounds = array<i64: 1024, 128>}, {pipeline_mode = #tpu.pipeline_mode<synchronous>, transform_indices = @transform_5, window_bounds = array<i64: 256, 256>}, {pipeline_mode = #tpu.pipeline_mode<synchronous>, transform_indices = @transform_6, window_bounds = array<i64: 1, 256>}, {transform_indices = @transform_7, window_bounds = array<i64: 1024, 256>}]} {
    %get3A = arith.constant 0 : index
    %get3A_0 = arith.constant 0 : index
    %get3A_1 = vector.load %arg5[%get3A, %get3A_0] : memref<1024x128xf32, #tpu.memory_space<vmem>>, vector<1024x128xf32>
    %get3A_2 = arith.constant 0 : index
    %get3A_3 = arith.constant 0 : index
    %get3A_4 = vector.load %arg1[%get3A_2, %get3A_3] : memref<1024x128xf32, #tpu.memory_space<vmem>>, vector<1024x128xf32>
    %get3A_5 = arith.constant 0 : index
    %get3A_6 = arith.constant 0 : index
    %get3A_7 = vector.load %arg3[%get3A_5, %get3A_6] : memref<1024x128xf32, #tpu.memory_space<vmem>>, vector<1024x128xf32>
    %add3A = arith.addf %get3A_4, %get3A_7 : vector<1024x128xf32>
    %mul3A = arith.mulf %add3A, %get3A_1 : vector<1024x128xf32>
    %get3A_8 = arith.constant 0 : index
    %get3A_9 = arith.constant 0 : index
    %get3A_10 = vector.load %arg2[%get3A_8, %get3A_9] : memref<1024x128xf32, #tpu.memory_space<vmem>>, vector<1024x128xf32>
    %get3A_11 = arith.constant 0 : index
    %get3A_12 = arith.constant 0 : index
    %get3A_13 = vector.load %arg4[%get3A_11, %get3A_12] : memref<1024x128xf32, #tpu.memory_space<vmem>>, vector<1024x128xf32>
    %add3A_14 = arith.addf %get3A_10, %get3A_13 : vector<1024x128xf32>
    %mul3A_15 = arith.mulf %add3A_14, %get3A_1 : vector<1024x128xf32>
    %concatenate3A = tpu.concatenate %mul3A, %mul3A_15 in 1 : vector<1024x128xf32>, vector<1024x128xf32> -> vector<1024x256xf32>
    %get3A_16 = arith.constant 0 : index
    %get3A_17 = arith.constant 0 : index
    %get3A_18 = vector.load %arg6[%get3A_16, %get3A_17] : memref<256x256xf32, #tpu.memory_space<vmem>>, vector<256x256xf32>
    %dot_general3A = arith.constant dense<0.000000e+00> : vector<1024x256xf32>
    %dot_general3A_19 = tpu.matmul %concatenate3A, %get3A_18, %dot_general3A {dimension_numbers = #tpu.dot_dimension_numbers<[1], [0], [0], [1], [0, 0, 1, 1], [], []>, transpose_lhs_hint = false} : vector<1024x256xf32>, vector<256x256xf32>, vector<1024x256xf32> -> vector<1024x256xf32>
    %get3A_20 = arith.constant 0 : index
    %get3A_21 = arith.constant 0 : index
    %get3A_22 = vector.load %arg7[%get3A_20, %get3A_21] : memref<1x256xf32, #tpu.memory_space<vmem>>, vector<1x256xf32>
    %add3A_23 = vector.broadcast %get3A_22 : vector<1x256xf32> to vector<1024x256xf32>
    %add3A_24 = arith.addf %dot_general3A_19, %add3A_23 : vector<1024x256xf32>
    %swap3A = arith.constant 0 : index
    %swap3A_25 = arith.constant 0 : index
    %swap3A_26 = vector.load %arg8[%swap3A, %swap3A_25] : memref<1024x256xf32, #tpu.memory_space<vmem>>, vector<1024x256xf32>
    tpu.vector_store %arg8[%swap3A, %swap3A_25], %add3A_24 {strides = array<i32>} : memref<1024x256xf32, #tpu.memory_space<vmem>>, vector<1024x256xf32>,
    return
  }
  func.func @transform_0(%arg0: i32) -> (i32, i32) {
    %c0_i32 = arith.constant 0 : i32
    %c0_i32_0 = arith.constant 0 : i32
    return %arg0, %c0_i32 : i32, i32
  }
  func.func @transform_1(%arg0: i32) -> (i32, i32) {
    %add3A = arith.constant 10 : i32
    %add3A_0 = arith.addi %arg0, %add3A : i32
    %c0_i32 = arith.constant 0 : i32
    %c0_i32_1 = arith.constant 0 : i32
    return %add3A_0, %c0_i32 : i32, i32
  }
  func.func @transform_2(%arg0: i32) -> (i32, i32) {
    %c0_i32 = arith.constant 0 : i32
    %c0_i32_0 = arith.constant 0 : i32
    return %arg0, %c0_i32 : i32, i32
  }
  func.func @transform_3(%arg0: i32) -> (i32, i32) {
    %add3A = arith.constant 10 : i32
    %add3A_0 = arith.addi %arg0, %add3A : i32
    %c0_i32 = arith.constant 0 : i32
    %c0_i32_1 = arith.constant 0 : i32
    return %add3A_0, %c0_i32 : i32, i32
  }
  func.func @transform_4(%arg0: i32) -> (i32, i32) {
    %c0_i32 = arith.constant 0 : i32
    %c0_i32_0 = arith.constant 0 : i32
    return %arg0, %c0_i32 : i32, i32
  }
  func.func @transform_5(%arg0: i32) -> (i32, i32) {
    %c0_i32 = arith.constant 0 : i32
    %c0_i32_0 = arith.constant 0 : i32
    %c0_i32_1 = arith.constant 0 : i32
    return %c0_i32, %c0_i32_0 : i32, i32
  }
  func.func @transform_6(%arg0: i32) -> (i32, i32) {
    %c0_i32 = arith.constant 0 : i32
    %c0_i32_0 = arith.constant 0 : i32
    %c0_i32_1 = arith.constant 0 : i32
    return %c0_i32, %c0_i32_0 : i32, i32
  }
  func.func @transform_7(%arg0: i32) -> (i32, i32) {
    %c0_i32 = arith.constant 0 : i32
    %c0_i32_0 = arith.constant 0 : i32
    return %arg0, %c0_i32 : i32, i32
  }
}

module attributes {stable_mosaic.version = 14 : i64} {
  func.func @_layer2_body(%arg0: i32, %arg1: memref<1024x128xf32, #tpu.memory_space<vmem>>, %arg2: memref<1024x128xf32, #tpu.memory_space<vmem>>, %arg3: memref<1024x128xf32, #tpu.memory_space<vmem>>, %arg4: memref<1024x128xf32, #tpu.memory_space<vmem>>, %arg5: memref<1024x128xf32, #tpu.memory_space<vmem>>, %arg6: memref<256x256xf32, #tpu.memory_space<vmem>>, %arg7: memref<1x256xf32, #tpu.memory_space<vmem>>, %arg8: memref<2x1024x128xf32, #tpu.memory_space<vmem>>) attributes {dimension_semantics = [#tpu.dimension_semantics<arbitrary>], iteration_bounds = array<i64: 10>, scalar_prefetch = 0 : i64, scratch_operands = 0 : i64, tpu.core_type = #tpu.core_type<tc>, window_params = [{transform_indices = @transform_0, window_bounds = array<i64: 1024, 128>}, {transform_indices = @transform_1, window_bounds = array<i64: 1024, 128>}, {transform_indices = @transform_2, window_bounds = array<i64: 1024, 128>}, {transform_indices = @transform_3, window_bounds = array<i64: 1024, 128>}, {transform_indices = @transform_4, window_bounds = array<i64: 1024, 128>}, {pipeline_mode = #tpu.pipeline_mode<synchronous>, transform_indices = @transform_5, window_bounds = array<i64: 256, 256>}, {pipeline_mode = #tpu.pipeline_mode<synchronous>, transform_indices = @transform_6, window_bounds = array<i64: 1, 256>}, {transform_indices = @transform_7, window_bounds = array<i64: 2, 1024, 128>}]} {
    %get3A = arith.constant 0 : index
    %get3A_0 = arith.constant 0 : index
    %get3A_1 = vector.load %arg5[%get3A, %get3A_0] : memref<1024x128xf32, #tpu.memory_space<vmem>>, vector<1024x128xf32>
    %get3A_2 = arith.constant 0 : index
    %get3A_3 = arith.constant 0 : index
    %get3A_4 = vector.load %arg1[%get3A_2, %get3A_3] : memref<1024x128xf32, #tpu.memory_space<vmem>>, vector<1024x128xf32>
    %get3A_5 = arith.constant 0 : index
    %get3A_6 = arith.constant 0 : index
    %get3A_7 = vector.load %arg3[%get3A_5, %get3A_6] : memref<1024x128xf32, #tpu.memory_space<vmem>>, vector<1024x128xf32>
    %add3A = arith.addf %get3A_4, %get3A_7 : vector<1024x128xf32>
    %mul3A = arith.mulf %add3A, %get3A_1 : vector<1024x128xf32>
    %get3A_8 = arith.constant 0 : index
    %get3A_9 = arith.constant 0 : index
    %get3A_10 = vector.load %arg2[%get3A_8, %get3A_9] : memref<1024x128xf32, #tpu.memory_space<vmem>>, vector<1024x128xf32>
    %get3A_11 = arith.constant 0 : index
    %get3A_12 = arith.constant 0 : index
    %get3A_13 = vector.load %arg4[%get3A_11, %get3A_12] : memref<1024x128xf32, #tpu.memory_space<vmem>>, vector<1024x128xf32>
    %add3A_14 = arith.addf %get3A_10, %get3A_13 : vector<1024x128xf32>
    %mul3A_15 = arith.mulf %add3A_14, %get3A_1 : vector<1024x128xf32>
    %concatenate3A = tpu.concatenate %mul3A, %mul3A_15 in 1 : vector<1024x128xf32>, vector<1024x128xf32> -> vector<1024x256xf32>
    %get3A_16 = arith.constant 0 : index
    %get3A_17 = arith.constant 0 : index
    %get3A_18 = vector.load %arg6[%get3A_16, %get3A_17] : memref<256x256xf32, #tpu.memory_space<vmem>>, vector<256x256xf32>
    %dot_general3A = arith.constant dense<0.000000e+00> : vector<1024x256xf32>
    %dot_general3A_19 = tpu.matmul %concatenate3A, %get3A_18, %dot_general3A {dimension_numbers = #tpu.dot_dimension_numbers<[1], [0], [0], [1], [0, 0, 1, 1], [], []>, transpose_lhs_hint = false} : vector<1024x256xf32>, vector<256x256xf32>, vector<1024x256xf32> -> vector<1024x256xf32>
    %get3A_20 = arith.constant 0 : index
    %get3A_21 = arith.constant 0 : index
    %get3A_22 = vector.load %arg7[%get3A_20, %get3A_21] : memref<1x256xf32, #tpu.memory_space<vmem>>, vector<1x256xf32>
    %add3A_23 = vector.broadcast %get3A_22 : vector<1x256xf32> to vector<1024x256xf32>
    %add3A_24 = arith.addf %dot_general3A_19, %add3A_23 : vector<1024x256xf32>
    %max3A = arith.constant 0.000000e+00 : f32
    %max3A_25 = vector.broadcast %max3A : f32 to vector<1024x256xf32>
    %max3A_26 = arith.maximumf %add3A_24, %max3A_25 : vector<1024x256xf32>
    %slice3A = vector.extract_strided_slice %max3A_26 {offsets = [0, 0], sizes = [1024, 128], strides = [1, 1]} : vector<1024x256xf32> to vector<1024x128xf32>
    %mul3A_27 = arith.mulf %slice3A, %get3A_1 : vector<1024x128xf32>
    %swap3A = arith.constant 0 : index
    %swap3A_28 = arith.constant 0 : index
    %swap3A_29 = arith.constant 0 : index
    %swap3A_30 = vector.load %arg8[%swap3A, %swap3A_28, %swap3A_29] : memref<2x1024x128xf32, #tpu.memory_space<vmem>>, vector<1x1024x128xf32>
    %swap3A_31 = vector.shape_cast %swap3A_30 : vector<1x1024x128xf32> to vector<1024x128xf32>
    %swap3A_32 = vector.shape_cast %mul3A_27 : vector<1024x128xf32> to vector<1x1024x128xf32>
    tpu.vector_store %arg8[%swap3A, %swap3A_28, %swap3A_29], %swap3A_32 {strides = array<i32>} : memref<2x1024x128xf32, #tpu.memory_space<vmem>>, vector<1x1024x128xf32>,
    %slice3A_33 = vector.extract_strided_slice %max3A_26 {offsets = [0, 128], sizes = [1024, 128], strides = [1, 1]} : vector<1024x256xf32> to vector<1024x128xf32>
    %mul3A_34 = arith.mulf %slice3A_33, %get3A_1 : vector<1024x128xf32>
    %swap3A_35 = arith.constant 1 : index
    %swap3A_36 = arith.constant 0 : index
    %swap3A_37 = arith.constant 0 : index
    %swap3A_38 = vector.load %arg8[%swap3A_35, %swap3A_36, %swap3A_37] : memref<2x1024x128xf32, #tpu.memory_space<vmem>>, vector<1x1024x128xf32>
    %swap3A_39 = vector.shape_cast %swap3A_38 : vector<1x1024x128xf32> to vector<1024x128xf32>
    %swap3A_40 = vector.shape_cast %mul3A_34 : vector<1024x128xf32> to vector<1x1024x128xf32>
    tpu.vector_store %arg8[%swap3A_35, %swap3A_36, %swap3A_37], %swap3A_40 {strides = array<i32>} : memref<2x1024x128xf32, #tpu.memory_space<vmem>>, vector<1x1024x128xf32>,
    return
  }
  func.func @transform_0(%arg0: i32) -> (i32, i32) {
    %c0_i32 = arith.constant 0 : i32
    %c0_i32_0 = arith.constant 0 : i32
    return %arg0, %c0_i32 : i32, i32
  }
  func.func @transform_1(%arg0: i32) -> (i32, i32) {
    %add3A = arith.constant 10 : i32
    %add3A_0 = arith.addi %arg0, %add3A : i32
    %c0_i32 = arith.constant 0 : i32
    %c0_i32_1 = arith.constant 0 : i32
    return %add3A_0, %c0_i32 : i32, i32
  }
  func.func @transform_2(%arg0: i32) -> (i32, i32) {
    %c0_i32 = arith.constant 0 : i32
    %c0_i32_0 = arith.constant 0 : i32
    return %arg0, %c0_i32 : i32, i32
  }
  func.func @transform_3(%arg0: i32) -> (i32, i32) {
    %add3A = arith.constant 10 : i32
    %add3A_0 = arith.addi %arg0, %add3A : i32
    %c0_i32 = arith.constant 0 : i32
    %c0_i32_1 = arith.constant 0 : i32
    return %add3A_0, %c0_i32 : i32, i32
  }
  func.func @transform_4(%arg0: i32) -> (i32, i32) {
    %c0_i32 = arith.constant 0 : i32
    %c0_i32_0 = arith.constant 0 : i32
    return %arg0, %c0_i32 : i32, i32
  }
  func.func @transform_5(%arg0: i32) -> (i32, i32) {
    %c0_i32 = arith.constant 0 : i32
    %c0_i32_0 = arith.constant 0 : i32
    %c0_i32_1 = arith.constant 0 : i32
    return %c0_i32, %c0_i32_0 : i32, i32
  }
  func.func @transform_6(%arg0: i32) -> (i32, i32) {
    %c0_i32 = arith.constant 0 : i32
    %c0_i32_0 = arith.constant 0 : i32
    %c0_i32_1 = arith.constant 0 : i32
    return %c0_i32, %c0_i32_0 : i32, i32
  }
  func.func @transform_7(%arg0: i32) -> (i32, i32, i32) {
    %c0_i32 = arith.constant 0 : i32
    %c0_i32_0 = arith.constant 0 : i32
    %c0_i32_1 = arith.constant 0 : i32
    return %c0_i32, %arg0, %c0_i32_0 : i32, i32, i32
  }
}

</mosaic_0001>

<sc_bundles>
// kernel: kernel.10.cloned.1.call-start
scs
__scs_entry_jumppad:
0x0: {  	(pc) =	sbr.rel $0x88, $3  }
0x1: {  	(tag) =	ssettag $0x0;
	lr =	simm.s32 $0x1  }
0x2: {  	[smem:$0x3F9B] =	sst lr;
	_ =	strace $0xD0000000  }
0x3: {  	_ = 	snop  }
0x4: {  	_ = 	snop  }
0x5: {  	_ = 	snop  }
0x6: {  	_ = 	snop  }
0x7: {  	_ = 	snop  }
__scs_overlays_trampoline_lowered:
0x8: {  	[smem:$0x3FAA] =	sst s0  }
0x9: {  	[smem:$0x3FAB] =	sst s1  }
0xa: {  	[smem:$0x3FAC] =	sst s2  }
0xb: {  	[smem:$0x3FAD] =	sst s3  }
0xc: {  	[smem:$0x3FAE] =	sst s4  }
0xd: {  	[smem:$0x3FAF] =	sst s5  }
0xe: {  	[smem:$0x3FB0] =	sst s6  }
0xf: {  	[smem:$0x3FB1] =	sst s7  }
0x10: {  	[smem:$0x3FB2] =	sst s8  }
0x11: {  	[smem:$0x3FB3] =	sst s9;
	s0 =	simm.s32 @!p0 $0x0  }
0x12: {  	s1 =	sld [smem:$0x3F99];
	s0 =	simm.s32 @p0 $0x1  }
0x13: {  	[smem:$0x3FB4] =	sst s0;
	s0 =	simm.s32 @!p1 $0x0  }
0x14: {  	s2 =	sld [smem:$0x3F98];
	s0 =	simm.s32 @p1 $0x1  }
0x15: {  	[smem:$0x3FB5] =	sst s0;
	s0 =	simm.s32 @!p2 $0x0  }
0x16: {  	s3 =	sld [smem:$0x3FDB];
	s0 =	simm.s32 @p2 $0x1  }
0x17: {  	s4 =	simm.s32 $0x1BF5;
	[smem:$0x3FB7] =	sst s0  }
0x18: {  	s0 =	sld [smem:$0x3F9A];
	_ =	swait.ge [sflag:s4], $0x0  }
0x19: {  	s7 =	sld [smem:$0x3F9B]  }
0x1a: {  	s8 =	sadd.s32 $0xFFFFE003, lr  }
0x1b: {  	s9 =	sadd.s32 $0xFFFFFEF7, lr;
	s5 =	simm.s32 $0xFFFFFFFF;
	p2 =	slt.u32 s8, $0xFFFFF086  }
0x1c: {  	p1 =	slt.u32 s9, $0xF7A;
	s5 =	simm.s32 @!p2 $0x0  }
0x1d: {  	s5 =	simm.s32 @p1 $0x1;
	p0 =	seq.s32 s7, s2  }
0x1e: {  	s7 =	smul.u32 @!p0 $0xF7A, s2;
	p2 =	seq.s32 @!p0 s5, $0x0  }
0x1f: {  	s9 =	smul.u32 $0xF7A, s1;
	s8 =	simm.s32 @!p0 $0x1BF5;
	p2 =	por !p2, p0  }
0x20: {  	[sflag:s8] =	ssyncset.s32 @!p0 $0xFFFFF086;
	s6 =	sadd.s32 @!p0 s3, s7;
	s7 =	simm.s32 @!p0 $0x108  }
0x21: {  	s3 =	sadd.s32 s3, s9;
	s6 =	sadd.s32 @!p0 $0x88, s6;
	s7 =	simm.s32 @p2 $0x1082  }
0x22: {  	[simem:s7], [sflag:s8] =	dma.local @!p0 [hbm:s6], $0xF7A  }
0x23: {  	s9 =	sor.u32 $0xD0000000, s2;
	s6 =	simm.s32 $0x108;
	_ =	swait.ge @!p0 [sflag:s8], $0x0  }
0x24: {  	s3 =	sadd.s32 $0x88, s3;
	s6 =	simm.s32 @!p1 $0x1082;
	[sflag:s4] =	ssyncset.s32 $0xFFFFF086  }
0x25: {  	[simem:s6], [sflag:s4] =	dma.local [hbm:s3], $0xF7A  }
0x26: {  	[smem:$0x3F9B] =	sst s1;
	(tag) =	ssettag s2;
	_ =	strace s9  }
0x27: {  	s1 =	sld [smem:$0x3FAB]  }
0x28: {  	s2 =	sld [smem:$0x3FAC]  }
0x29: {  	s4 =	sld [smem:$0x3FAE]  }
0x2a: {  	p0 =	seq.s32 s5, $0x0;
	s5 =	sld [smem:$0x3FAF]  }
0x2b: {  	s6 =	sld [smem:$0x3FB0]  }
0x2c: {  	s7 =	sld [smem:$0x3FB1]  }
0x2d: {  	s3 =	simm.s32 $0x108;
	s8 =	sld [smem:$0x3FB2]  }
0x2e: {  	s3 =	simm.s32 @!p0 $0x1082;
	s9 =	sld [smem:$0x3FB3]  }
0x2f: {  	lr =	sadd.s32 s0, s3;
	s0 =	sld [smem:$0x3FAA]  }
0x30: {  	s3 =	sld [smem:$0x3FAD]  }
0x31: {  	[smem:$0x3FB6] =	sst s10  }
0x32: {  	s10 =	sld [smem:$0x3FB4];
	_ =	sdelay $0x3  }
0x33: {  	p0 =	seq.s32 s10, $0x1;
	s10 =	sld [smem:$0x3FB6];
	_ =	sdelay $0x3  }
0x34: {  	[smem:$0x3FB6] =	sst s10  }
0x35: {  	s10 =	sld [smem:$0x3FB5];
	_ =	sdelay $0x3  }
0x36: {  	p1 =	seq.s32 s10, $0x1;
	s10 =	sld [smem:$0x3FB6];
	_ =	sdelay $0x3  }
0x37: {  	[smem:$0x3FB6] =	sst s10  }
0x38: {  	s10 =	sld [smem:$0x3FB7]  }
0x39: {  	_ = 	snop;
	(pc) =	sbr.ind lr, $3  }
0x3a: {  	_ = 	snop  }
0x3b: {  	_ = 	snop  }
0x3c: {  	p2 =	seq.s32 s10, $0x1;
	s10 =	sld [smem:$0x3FB6]  }
0x3d: {  	_ =	shalt  }
0x3e: {  	_ =	shalt  }
0x3f: {  	_ =	shalt  }
0x40: {  	_ =	shalt  }
0x41: {  	_ =	shalt  }
0x42: {  	_ =	shalt  }
0x43: {  	_ =	shalt  }
0x44: {  	_ =	shalt  }
0x45: {  	_ =	shalt  }
0x46: {  	_ =	shalt  }
0x47: {  	_ =	shalt  }
0x48: {  	_ =	shalt  }
0x49: {  	_ =	shalt  }
0x4a: {  	_ =	shalt  }
0x4b: {  	_ =	shalt  }
0x4c: {  	_ =	shalt  }
0x4d: {  	_ =	shalt  }
0x4e: {  	_ =	shalt  }
0x4f: {  	_ =	shalt  }
0x50: {  	_ =	shalt  }
0x51: {  	_ =	shalt  }
0x52: {  	_ =	shalt  }
0x53: {  	_ =	shalt  }
0x54: {  	_ =	shalt  }
0x55: {  	_ =	shalt  }
0x56: {  	_ =	shalt  }
0x57: {  	_ =	shalt  }
0x58: {  	_ =	shalt  }
0x59: {  	_ =	shalt  }
0x5a: {  	_ =	shalt  }
0x5b: {  	_ =	shalt  }
0x5c: {  	_ =	shalt  }
0x5d: {  	_ =	shalt  }
0x5e: {  	_ =	shalt  }
0x5f: {  	_ =	shalt  }
0x60: {  	_ =	shalt  }
0x61: {  	_ =	shalt  }
0x62: {  	_ =	shalt  }
0x63: {  	_ =	shalt  }
0x64: {  	_ =	shalt  }
0x65: {  	_ =	shalt  }
0x66: {  	_ =	shalt  }
0x67: {  	_ =	shalt  }
0x68: {  	_ =	shalt  }
0x69: {  	_ =	shalt  }
0x6a: {  	_ =	shalt  }
0x6b: {  	_ =	shalt  }
0x6c: {  	_ =	shalt  }
0x6d: {  	_ =	shalt  }
0x6e: {  	_ =	shalt  }
0x6f: {  	_ =	shalt  }
0x70: {  	_ =	shalt  }
0x71: {  	_ =	shalt  }
0x72: {  	_ =	shalt  }
0x73: {  	_ =	shalt  }
0x74: {  	_ =	shalt  }
0x75: {  	_ =	shalt  }
0x76: {  	_ =	shalt  }
0x77: {  	_ =	shalt  }
0x78: {  	_ =	shalt  }
0x79: {  	_ =	shalt  }
0x7a: {  	_ =	shalt  }
0x7b: {  	_ =	shalt  }
0x7c: {  	_ =	shalt  }
0x7d: {  	_ =	shalt  }
0x7e: {  	_ =	shalt  }
0x7f: {  	_ =	shalt  }
0x80: {  	_ =	shalt  }
0x81: {  	_ =	shalt  }
0x82: {  	_ =	shalt  }
0x83: {  	_ =	shalt  }
0x84: {  	_ =	shalt  }
0x85: {  	_ =	shalt  }
0x86: {  	_ =	shalt  }
0x87: {  	_ =	shalt  }
.Lfunc_end0:
.L_simem_size_0:
called_computation_lowered:
.L_overlay_start_0:
0x88: {  	s2 =	sld [smem:$0x3FD9]  }
0x89: {  	s3 =	sld [smem:$0x3FFE];
	_ =	sdelay $0x1  }
0x8a: {  	s1 =	srdreg.scid  }
0x8b: {  	s0 =	sand.u32 $0x1, s1  }
0x8c: {  	s17 =	sshll.u32 s0, $0xA;
	s2 =	sadd.s32 s3, s2  }
0x8d: {  	s2 =	sadd.s32 s2, s17  }
0x8e: {  	[smem:$0x3FC2] =	sst s2  }
0x8f: {  	_ = 	snop  }
0x90: {  	s2 =	sld [smem:$0x3FD0];
	(tm) =	ssettm $0x1  }
0x91: {  	s18 =	sld [smem:$0x3FFB];
	_ =	sdelay $0x3  }
0x92: {  	_ =	strace s18  }
0x93: {  	s3 =	sld [smem:$0x3FFC];
	_ =	sdelay $0x3  }
0x94: {  	_ =	strace s3  }
0x95: {  	s3 =	sld [smem:$0x3FFD];
	_ =	sdelay $0x3  }
0x96: {  	_ =	strace s3  }
0x97: {  	_ =	strace $0x8FFFFFFF  }
0x98: {  	s19 =	sld [smem:$0x3FDB];
	_ =	sdelay $0x1  }
0x99: {  	s4 =	simm.s32 $_scs_section_size  }
0x9a: {  	s5 =	simm.s32 $_size__tile_overlayer_lowered;
	s6 =	simm.s32 $_tile_overlayer_lowered  }
0x9b: {  	s22 =	simm.s32 $0x1BFF;
	s21 =	sshll.u32 s6, $0x1;
	s3 =	sadd.s32 s4, s19  }
0x9c: {  	s7 =	simm.s32 $0x0;
	s20 =	sshll.u32 s5, $0x1;
	s5 =	sadd.s32 s21, s3  }
0x9d: {  	[timem:s7], [sflag:s22] =	dma.local [hbm:s5], s20  }
0x9e: {  	_ =	swait.ge [sflag:s22], s20  }
0x9f: {  	s4 =	ssub.s32 $0x0, s20;
	[sflag:s22] =	ssyncset.done $0x0  }
0xa0: {  	[sflag:s22] =	ssyncadd.s32 s4;
	_ =	sdelay $0x1  }
0xa1: {  	s23 =	simm.s32 $0x1B8B  }
0xa2: {  	_ =	swait.ge [sflag:s23], $0x1  }
0xa3: {  	[sflag:s23] =	ssyncset.done $0x0  }
0xa4: {  	s25 =	simm.s32 $0x1B8E;
	s24 =	sld [smem:$0x3FFE];
	[sflag:s23] =	ssyncadd.s32 $0xFFFFFFFF  }
0xa5: {  	s26 =	simm.s32 $execute0_lowered;
	[smem:$0x3FD2] =	sst s25  }
0xa6: {  	s5 =	sshll.u32 s26, $0x1;
	_ =	strace $0x80000046;
	[dreg:$0x1] =	wrdreg $0xFFFFFFFF  }
0xa7: {  	s28 =	simm.s32 $_size_execute0_lowered;
	s3 =	sadd.s32 s3, s5;
	[dreg:$0x0] =	wrdreg $0x0  }
0xa8: {  	s5 =	sshll.u32 s28, $0x1;
	[dreg:$0x2] =	wrdreg s3  }
0xa9: {  	[dreg:$0x3] =	wrdreg s5  }
0xaa: {  	[dreg:$0x4] =	wrdreg $0xC0  }
0xab: {  	_ =	task [dreg:s7], $0x5FFFF  }
0xac: {  	[dreg:$0x1] =	wrdreg $0xFFFFFFFF  }
0xad: {  	[dreg:$0x0] =	wrdreg $0x60  }
0xae: {  	[dreg:$0x2] =	wrdreg s24  }
0xaf: {  	[dreg:$0x3] =	wrdreg s2  }
0xb0: {  	[dreg:$0x4] =	wrdreg $0x68000  }
0xb1: {  	[dreg:$0x5] =	wrdreg $0x9  }
0xb2: {  	_ =	task.clear_ibuf [dreg:s7], $0x6FFFF;
	_ =	strace $0x90000046  }
0xb3: {  	s29 =	simm.s32 $0x9;
	_ =	strace $0x80000048  }
0xb4: {  	_ =	swait.ge [sflag:s29], $0x1  }
0xb5: {  	[sflag:s29] =	ssyncadd.s32 $0xFFFFFFFF  }
0xb6: {  	_ =	strace $0x90000048  }
0xb7: {  	_ =	sfence  }
0xb8: {  	s30 =	sld [smem:$0x0];
	_ =	sdelay $0x2  }
0xb9: {  	s31 =	sshll.u32 s1, $0xD;
	s1 =	sshrl.u32 s1, $0x2  }
0xba: {  	s3 =	sand.u32 $0x4000, s31;
	s1 =	sadd.s32 s1, s30  }
0xbb: {  	s0 =	sor.u32 s3, s0;
	s1 =	sshll.u32 s1, $0x11  }
0xbc: {  	s0 =	sor.u32 s1, s0  }
0xbd: {  	s0 =	sadd.s32 $0x8F2B, s0  }
0xbe: {  	[sflag:s0] =	ssyncadd.remote.s32 $0x1  }
0xbf: {  	_ =	sfence.sel $0xFFFF  }
0xc0: {  	[dreg:$0x0] =	wrdreg $0xFFFFFFFF;
	(pc) =	sbr.abs _section_cstart, $3  }
0xc1: {  	[dreg:$0x1] =	wrdreg $0xFFFFFFFF  }
0xc2: {  	_ =	task.clear_ibuf [dreg:s7], $0x2FFFF;
	_ =	strace $0x9FFFFFFF  }
0xc3: {  	(tm) =	ssettm $0x7FFFFFFF  }
tec
execute0_lowered:
.L_overlay_start_1:
0x0: {  	(tag) =	ssettag $0x1  }
0x1: {  	s4 =	rddreg [dreg:$0x0]  }
0x2: {  	s5 =	rddreg [dreg:$0x1]  }
0x3: {  	s2 =	rddreg [dreg:$0x2]  }
0x4: {  	s0 =	rddreg [dreg:$0x3]  }
0x5: {  	s1 =	stileid.u32;
	s6 =	srdreg.scid  }
0x6: {  	s3 =	simm.s32 $0x0;
	s12 =	simm.s32 $0x4000;
	s7 =	smul.u32 $0x14000, s1  }
0x7: {  	s6 =	sand.u32 $0x1, s6;
	[smem:$0x7FF] =	sst s3;
	s10 =	smul.u32 $0x50000, s1  }
0x8: {  	s9 =	sshll.u32 s1, $0xB;
	s31 =	sshll.u32 s1, $0x6;
	s8 =	smul.u32 $0x140000, s6  }
0x9: {  	_ =	strace $0x80000047;
	s9 =	sadd.s32 s9, s4;
	s11 =	ssub.s32 $0x2, s6  }
0xa: {  	s29 =	sshll.u32 s6, $0xF;
	s28 =	sshrl.u32 s11, $0x1;
	s10 =	sshrl.u32 s10, $0x2  }
0xb: {  	s30 =	sshrl.u32 s7, $0x3;
	s9 =	sadd.s32 s29, s9;
	s8 =	sadd.s32 s7, s8  }
0xc: {  	s11 =	ssub.s32 s11, s28;
	s10 =	sadd.s32 s10, s2;
	s6 =	sadd.s32 $0x2A00, s9  }
0xd: {  	s8 =	sshrl.u32 s8, $0x3;
	s9 =	sshrl.u32 s10, $0x3;
	s10 =	simm.s32 $0x1  }
0xe: {  	s8 =	sadd.s32 s8, s4;
	s4 =	sadd.s32 s5, s30;
	s5 =	sor.u32 $0x1C01, s31  }
0xf: {  	v0 =	vimm.f32 $1.000000000e+00;
	s7 =	sadd.s32 $0x12A00, s8;
	s8 =	smax.u32 s11, $0x1;
	s11 =	simm.s32 $0x50  }
.LBB2_1:
0x10: {  	s13 =	simm.s32 $0x70;
	s14 =	simm.s32 $0x3C0  }
.LBB2_2:
0x11: {  	p0 =	sne.s32 s14, $0x9FC0;
	[tilespmem:s13+$0x4000] =	vst v0  }
0x12: {  	[tilespmem:s13+$0x3F90] =	vst v0  }
0x13: {  	[tilespmem:s13+$0x3FA0] =	vst v0  }
.Ltmp0:
0x14: {  	[tilespmem:s13+$0x3FB0] =	vst v0;
	(pc) =	sbr.rel @p0 .LBB2_2-.Ltmp0, $4  }
0x15: {  	[tilespmem:s13+$0x3FC0] =	vst v0  }
0x16: {  	[tilespmem:s13+$0x3FD0] =	vst v0  }
0x17: {  	[tilespmem:s13+$0x3FE0] =	vst v0  }
0x18: {  	[tilespmem:s13+$0x3FF0] =	vst v0;
	s13 =	sshra.s32 s14, $0x2;
	s14 =	sadd.s32 $0x200, s14  }
0x19: {  	[tilespmem:s13+$0x4000] =	vst v0  }
0x1a: {  	[tilespmem:s13+$0x3F90] =	vst v0  }
0x1b: {  	[tilespmem:s13+$0x3FA0] =	vst v0  }
0x1c: {  	[tilespmem:s13+$0x3FB0] =	vst v0  }
0x1d: {  	[tilespmem:s13+$0x3FC0] =	vst v0  }
0x1e: {  	[tilespmem:s13+$0x3FD0] =	vst v0  }
0x1f: {  	[tilespmem:s13+$0x3FE0] =	vst v0  }
0x20: {  	[tilespmem:s13+$0x3FF0] =	vst v0  }
0x21: {  	[spmem:s9], [sflag:s5] =	dma.local [hbm:s4], $0x2800  }
0x22: {  	_ =	swait.ge [sflag:s10], $0x2800  }
0x23: {  	[sflag:s10] =	ssyncset.done $0x0  }
0x24: {  	s30 =	simm.s32 $0x0;
	[sflag:s10] =	ssyncadd.s32 $0xFFFFD800  }
0x25: {  	[tilespmem:s30], [sflag:$0x1] =	stream.linear.gather [hbm4b:s6+s30], $0x3E80, $0x38;
	[tilespmem:$0x1A800] =	vst v63  }
0x26: {  	_ =	swait.ge [sflag:s10], $0x3E80  }
0x27: {  	[sflag:s10] =	ssyncset.done $0x0  }
0x28: {  	[sflag:s10] =	ssyncadd.s32 $0xFFFFC180  }
0x29: {  	s31 =	simm.s32 $0x0;
	[bflag:$0x0] =	sbarrier.arrive $0xFFFF  }
0x2a: {  	[spmem:s2] =	stream.indirect.scatter.add.f32 [tilespmem:s12], [sflag:$0x1], $0x80, s31, s11, $0xb8;
	[tilespmem:$0x1A800] =	vst v63  }
0x2b: {  	_ =	swait.ge [sflag:s10], $0x2800  }
0x2c: {  	s13 =	simm.s32 $0x200;
	[sflag:s10] =	ssyncset.done $0x0  }
.LBB2_4:
0x2d: {  	s14 =	sshra.s32 s13, $0x2;
	[sflag:s10] =	ssyncadd.s32 $0xFFFFD800;
	p0 =	sne.s32 s13, $0xF800  }
0x2e: {  	[spmem:s2] =	stream.indirect.scatter.add.f32 [tilespmem:s12], [sflag:$0x1], $0x80, s14, s11, $0xb8;
	[tilespmem:$0x1A800] =	vst v63  }
.Ltmp1:
0x2f: {  	_ = 	snop;
	(pc) =	sbr.rel @p0 .LBB2_4-.Ltmp1, $4  }
0x30: {  	_ = 	snop  }
0x31: {  	s13 =	sadd.s32 $0x200, s13  }
0x32: {  	_ =	swait.ge [sflag:s10], $0x2800  }
0x33: {  	[sflag:s10] =	ssyncset.done $0x0  }
0x34: {  	s3 =	sadd.s32 $0x1, s3  }
0x35: {  	[sflag:s10] =	ssyncadd.s32 $0xFFFFD800;
	p0 =	sne.s32 s3, s8  }
.Ltmp2:
0x36: {  	[bflag:$0x0] =	sbarrier.arrive $0xFFFF;
	(pc) =	sbr.rel @p0 .LBB2_1-.Ltmp2, $4  }
0x37: {  	[hbm:s7], [sflag:s5] =	dma.local [spmem:s9], $0x2800  }
0x38: {  	_ =	swait.ge [sflag:s10], $0x2800  }
0x39: {  	[sflag:s10] =	ssyncset.done $0x0  }
0x3a: {  	[sflag:s10] =	ssyncadd.s32 $0xFFFFD800  }
0x3b: {  	_ =	sfence.sel $0x180000  }
0x3c: {  	[bflag:$0x0] =	sbarrier.arrive $0xFFFF  }
0x3d: {  	p0 =	sne.s32 s1, $0x0;
	_ =	strace $0x90000047  }
0x3e: {  	s0 =	sadd.s32 @!p0 $0x100000, s0;
	[bflag:$0x2] =	sbarrier.arrive $0xFFFF  }
0x3f: {  	[sflag:s0] =	ssyncadd.tile.s32 @!p0 $0x1;
	_ =	shalt  }
.Lfunc_end2:
_tile_overlayer_lowered:
.L_overlay_start_2:
0x40: {  	(tag) =	ssettag $0x2  }
0x41: {  	s0 =	rddreg [dreg:$0x0];
	s2 =	stileid.u32  }
0x42: {  	s1 =	rddreg [dreg:$0x1];
	p0 =	sne.s32 s2, $0x0  }
0x43: {  	s3 =	rddreg [dreg:$0x2];
	[bflag:$0x3] =	sbarrier.arrive $0xFFFF;
	s2 =	simm.s32 @!p0 $0x1C01  }
0x44: {  	[timem:s3], [sflag:s2] =	dma.local @!p0 [hbm:s0], s1  }
0x45: {  	s0 =	simm.s32 @!p0 $0x1  }
0x46: {  	_ =	swait.ge @!p0 [sflag:s0], s1  }
0x47: {  	s1 =	ssub.s32 @!p0 $0x0, s1;
	[sflag:s0] =	ssyncset.done @!p0 $0x0  }
0x48: {  	[sflag:s0] =	ssyncadd.s32 @!p0 s1  }
0x49: {  	[bflag:$0x3] =	sbarrier.arrive $0xFFFF  }
0x4a: {  	_ =	shalt  }

// kernel: kernel.13.cloned.1.call-start
scs
__scs_entry_jumppad:
0x0: {  	(pc) =	sbr.rel $0x88, $3  }
0x1: {  	(tag) =	ssettag $0x0;
	lr =	simm.s32 $0x1  }
0x2: {  	[smem:$0x3F9B] =	sst lr;
	_ =	strace $0xD0000000  }
0x3: {  	_ = 	snop  }
0x4: {  	_ = 	snop  }
0x5: {  	_ = 	snop  }
0x6: {  	_ = 	snop  }
0x7: {  	_ = 	snop  }
__scs_overlays_trampoline_lowered:
0x8: {  	[smem:$0x3FAA] =	sst s0  }
0x9: {  	[smem:$0x3FAB] =	sst s1  }
0xa: {  	[smem:$0x3FAC] =	sst s2  }
0xb: {  	[smem:$0x3FAD] =	sst s3  }
0xc: {  	[smem:$0x3FAE] =	sst s4  }
0xd: {  	[smem:$0x3FAF] =	sst s5  }
0xe: {  	[smem:$0x3FB0] =	sst s6  }
0xf: {  	[smem:$0x3FB1] =	sst s7  }
0x10: {  	[smem:$0x3FB2] =	sst s8  }
0x11: {  	[smem:$0x3FB3] =	sst s9;
	s0 =	simm.s32 @!p0 $0x0  }
0x12: {  	s1 =	sld [smem:$0x3F99];
	s0 =	simm.s32 @p0 $0x1  }
0x13: {  	[smem:$0x3FB4] =	sst s0;
	s0 =	simm.s32 @!p1 $0x0  }
0x14: {  	s2 =	sld [smem:$0x3F98];
	s0 =	simm.s32 @p1 $0x1  }
0x15: {  	[smem:$0x3FB5] =	sst s0;
	s0 =	simm.s32 @!p2 $0x0  }
0x16: {  	s3 =	sld [smem:$0x3FDB];
	s0 =	simm.s32 @p2 $0x1  }
0x17: {  	s4 =	simm.s32 $0x1BF5;
	[smem:$0x3FB7] =	sst s0  }
0x18: {  	s0 =	sld [smem:$0x3F9A];
	_ =	swait.ge [sflag:s4], $0x0  }
0x19: {  	s7 =	sld [smem:$0x3F9B]  }
0x1a: {  	s8 =	sadd.s32 $0xFFFFE003, lr  }
0x1b: {  	s9 =	sadd.s32 $0xFFFFFEF7, lr;
	s5 =	simm.s32 $0xFFFFFFFF;
	p2 =	slt.u32 s8, $0xFFFFF086  }
0x1c: {  	p1 =	slt.u32 s9, $0xF7A;
	s5 =	simm.s32 @!p2 $0x0  }
0x1d: {  	s5 =	simm.s32 @p1 $0x1;
	p0 =	seq.s32 s7, s2  }
0x1e: {  	s7 =	smul.u32 @!p0 $0xF7A, s2;
	p2 =	seq.s32 @!p0 s5, $0x0  }
0x1f: {  	s9 =	smul.u32 $0xF7A, s1;
	s8 =	simm.s32 @!p0 $0x1BF5;
	p2 =	por !p2, p0  }
0x20: {  	[sflag:s8] =	ssyncset.s32 @!p0 $0xFFFFF086;
	s6 =	sadd.s32 @!p0 s3, s7;
	s7 =	simm.s32 @!p0 $0x108  }
0x21: {  	s3 =	sadd.s32 s3, s9;
	s6 =	sadd.s32 @!p0 $0x88, s6;
	s7 =	simm.s32 @p2 $0x1082  }
0x22: {  	[simem:s7], [sflag:s8] =	dma.local @!p0 [hbm:s6], $0xF7A  }
0x23: {  	s9 =	sor.u32 $0xD0000000, s2;
	s6 =	simm.s32 $0x108;
	_ =	swait.ge @!p0 [sflag:s8], $0x0  }
0x24: {  	s3 =	sadd.s32 $0x88, s3;
	s6 =	simm.s32 @!p1 $0x1082;
	[sflag:s4] =	ssyncset.s32 $0xFFFFF086  }
0x25: {  	[simem:s6], [sflag:s4] =	dma.local [hbm:s3], $0xF7A  }
0x26: {  	[smem:$0x3F9B] =	sst s1;
	(tag) =	ssettag s2;
	_ =	strace s9  }
0x27: {  	s1 =	sld [smem:$0x3FAB]  }
0x28: {  	s2 =	sld [smem:$0x3FAC]  }
0x29: {  	s4 =	sld [smem:$0x3FAE]  }
0x2a: {  	p0 =	seq.s32 s5, $0x0;
	s5 =	sld [smem:$0x3FAF]  }
0x2b: {  	s6 =	sld [smem:$0x3FB0]  }
0x2c: {  	s7 =	sld [smem:$0x3FB1]  }
0x2d: {  	s3 =	simm.s32 $0x108;
	s8 =	sld [smem:$0x3FB2]  }
0x2e: {  	s3 =	simm.s32 @!p0 $0x1082;
	s9 =	sld [smem:$0x3FB3]  }
0x2f: {  	lr =	sadd.s32 s0, s3;
	s0 =	sld [smem:$0x3FAA]  }
0x30: {  	s3 =	sld [smem:$0x3FAD]  }
0x31: {  	[smem:$0x3FB6] =	sst s10  }
0x32: {  	s10 =	sld [smem:$0x3FB4];
	_ =	sdelay $0x3  }
0x33: {  	p0 =	seq.s32 s10, $0x1;
	s10 =	sld [smem:$0x3FB6];
	_ =	sdelay $0x3  }
0x34: {  	[smem:$0x3FB6] =	sst s10  }
0x35: {  	s10 =	sld [smem:$0x3FB5];
	_ =	sdelay $0x3  }
0x36: {  	p1 =	seq.s32 s10, $0x1;
	s10 =	sld [smem:$0x3FB6];
	_ =	sdelay $0x3  }
0x37: {  	[smem:$0x3FB6] =	sst s10  }
0x38: {  	s10 =	sld [smem:$0x3FB7]  }
0x39: {  	_ = 	snop;
	(pc) =	sbr.ind lr, $3  }
0x3a: {  	_ = 	snop  }
0x3b: {  	_ = 	snop  }
0x3c: {  	p2 =	seq.s32 s10, $0x1;
	s10 =	sld [smem:$0x3FB6]  }
0x3d: {  	_ =	shalt  }
0x3e: {  	_ =	shalt  }
0x3f: {  	_ =	shalt  }
0x40: {  	_ =	shalt  }
0x41: {  	_ =	shalt  }
0x42: {  	_ =	shalt  }
0x43: {  	_ =	shalt  }
0x44: {  	_ =	shalt  }
0x45: {  	_ =	shalt  }
0x46: {  	_ =	shalt  }
0x47: {  	_ =	shalt  }
0x48: {  	_ =	shalt  }
0x49: {  	_ =	shalt  }
0x4a: {  	_ =	shalt  }
0x4b: {  	_ =	shalt  }
0x4c: {  	_ =	shalt  }
0x4d: {  	_ =	shalt  }
0x4e: {  	_ =	shalt  }
0x4f: {  	_ =	shalt  }
0x50: {  	_ =	shalt  }
0x51: {  	_ =	shalt  }
0x52: {  	_ =	shalt  }
0x53: {  	_ =	shalt  }
0x54: {  	_ =	shalt  }
0x55: {  	_ =	shalt  }
0x56: {  	_ =	shalt  }
0x57: {  	_ =	shalt  }
0x58: {  	_ =	shalt  }
0x59: {  	_ =	shalt  }
0x5a: {  	_ =	shalt  }
0x5b: {  	_ =	shalt  }
0x5c: {  	_ =	shalt  }
0x5d: {  	_ =	shalt  }
0x5e: {  	_ =	shalt  }
0x5f: {  	_ =	shalt  }
0x60: {  	_ =	shalt  }
0x61: {  	_ =	shalt  }
0x62: {  	_ =	shalt  }
0x63: {  	_ =	shalt  }
0x64: {  	_ =	shalt  }
0x65: {  	_ =	shalt  }
0x66: {  	_ =	shalt  }
0x67: {  	_ =	shalt  }
0x68: {  	_ =	shalt  }
0x69: {  	_ =	shalt  }
0x6a: {  	_ =	shalt  }
0x6b: {  	_ =	shalt  }
0x6c: {  	_ =	shalt  }
0x6d: {  	_ =	shalt  }
0x6e: {  	_ =	shalt  }
0x6f: {  	_ =	shalt  }
0x70: {  	_ =	shalt  }
0x71: {  	_ =	shalt  }
0x72: {  	_ =	shalt  }
0x73: {  	_ =	shalt  }
0x74: {  	_ =	shalt  }
0x75: {  	_ =	shalt  }
0x76: {  	_ =	shalt  }
0x77: {  	_ =	shalt  }
0x78: {  	_ =	shalt  }
0x79: {  	_ =	shalt  }
0x7a: {  	_ =	shalt  }
0x7b: {  	_ =	shalt  }
0x7c: {  	_ =	shalt  }
0x7d: {  	_ =	shalt  }
0x7e: {  	_ =	shalt  }
0x7f: {  	_ =	shalt  }
0x80: {  	_ =	shalt  }
0x81: {  	_ =	shalt  }
0x82: {  	_ =	shalt  }
0x83: {  	_ =	shalt  }
0x84: {  	_ =	shalt  }
0x85: {  	_ =	shalt  }
0x86: {  	_ =	shalt  }
0x87: {  	_ =	shalt  }
.Lfunc_end0:
.L_simem_size_0:
called_computation.1_lowered:
.L_overlay_start_0:
0x88: {  	s2 =	sld [smem:$0x3FD9]  }
0x89: {  	s3 =	sld [smem:$0x3FFE];
	_ =	sdelay $0x1  }
0x8a: {  	s1 =	srdreg.scid  }
0x8b: {  	s0 =	sand.u32 $0x1, s1  }
0x8c: {  	s17 =	sshll.u32 s0, $0xA;
	s2 =	sadd.s32 s3, s2  }
0x8d: {  	s2 =	sadd.s32 s2, s17  }
0x8e: {  	[smem:$0x3FC2] =	sst s2  }
0x8f: {  	_ = 	snop  }
0x90: {  	s2 =	sld [smem:$0x3FD0];
	(tm) =	ssettm $0x1  }
0x91: {  	s18 =	sld [smem:$0x3FFB];
	_ =	sdelay $0x3  }
0x92: {  	_ =	strace s18  }
0x93: {  	s3 =	sld [smem:$0x3FFC];
	_ =	sdelay $0x3  }
0x94: {  	_ =	strace s3  }
0x95: {  	s3 =	sld [smem:$0x3FFD];
	_ =	sdelay $0x3  }
0x96: {  	_ =	strace s3  }
0x97: {  	_ =	strace $0x8FFFFFFF  }
0x98: {  	s19 =	sld [smem:$0x3FDB];
	_ =	sdelay $0x1  }
0x99: {  	s4 =	simm.s32 $_scs_section_size  }
0x9a: {  	s5 =	simm.s32 $_size__tile_overlayer_lowered;
	s6 =	simm.s32 $_tile_overlayer_lowered  }
0x9b: {  	s22 =	simm.s32 $0x1BFF;
	s21 =	sshll.u32 s6, $0x1;
	s3 =	sadd.s32 s4, s19  }
0x9c: {  	s7 =	simm.s32 $0x0;
	s20 =	sshll.u32 s5, $0x1;
	s5 =	sadd.s32 s21, s3  }
0x9d: {  	[timem:s7], [sflag:s22] =	dma.local [hbm:s5], s20  }
0x9e: {  	_ =	swait.ge [sflag:s22], s20  }
0x9f: {  	s4 =	ssub.s32 $0x0, s20;
	[sflag:s22] =	ssyncset.done $0x0  }
0xa0: {  	[sflag:s22] =	ssyncadd.s32 s4;
	_ =	sdelay $0x1  }
0xa1: {  	s23 =	simm.s32 $0x1B8B  }
0xa2: {  	_ =	swait.ge [sflag:s23], $0x1  }
0xa3: {  	[sflag:s23] =	ssyncset.done $0x0  }
0xa4: {  	s25 =	simm.s32 $0x1B8E;
	s24 =	sld [smem:$0x3FFE];
	[sflag:s23] =	ssyncadd.s32 $0xFFFFFFFF  }
0xa5: {  	s26 =	simm.s32 $execute0_lowered;
	[smem:$0x3FD2] =	sst s25  }
0xa6: {  	s5 =	sshll.u32 s26, $0x1;
	_ =	strace $0x80000049;
	[dreg:$0x1] =	wrdreg $0xFFFFFFFF  }
0xa7: {  	s28 =	simm.s32 $_size_execute0_lowered;
	s3 =	sadd.s32 s3, s5;
	[dreg:$0x0] =	wrdreg $0x0  }
0xa8: {  	s5 =	sshll.u32 s28, $0x1;
	[dreg:$0x2] =	wrdreg s3  }
0xa9: {  	[dreg:$0x3] =	wrdreg s5  }
0xaa: {  	[dreg:$0x4] =	wrdreg $0xC0  }
0xab: {  	_ =	task [dreg:s7], $0x5FFFF  }
0xac: {  	[dreg:$0x1] =	wrdreg $0xFFFFFFFF  }
0xad: {  	[dreg:$0x0] =	wrdreg $0x60  }
0xae: {  	[dreg:$0x2] =	wrdreg s24  }
0xaf: {  	[dreg:$0x3] =	wrdreg s2  }
0xb0: {  	[dreg:$0x4] =	wrdreg $0x70000  }
0xb1: {  	[dreg:$0x5] =	wrdreg $0x9  }
0xb2: {  	_ =	task.clear_ibuf [dreg:s7], $0x6FFFF;
	_ =	strace $0x90000049  }
0xb3: {  	s29 =	simm.s32 $0x9;
	_ =	strace $0x8000004B  }
0xb4: {  	_ =	swait.ge [sflag:s29], $0x1  }
0xb5: {  	[sflag:s29] =	ssyncadd.s32 $0xFFFFFFFF  }
0xb6: {  	_ =	strace $0x9000004B  }
0xb7: {  	_ =	sfence  }
0xb8: {  	s30 =	sld [smem:$0x0];
	_ =	sdelay $0x2  }
0xb9: {  	s31 =	sshll.u32 s1, $0xD;
	s1 =	sshrl.u32 s1, $0x2  }
0xba: {  	s3 =	sand.u32 $0x4000, s31;
	s1 =	sadd.s32 s1, s30  }
0xbb: {  	s0 =	sor.u32 s3, s0;
	s1 =	sshll.u32 s1, $0x11  }
0xbc: {  	s0 =	sor.u32 s1, s0  }
0xbd: {  	s0 =	sadd.s32 $0x8F2B, s0  }
0xbe: {  	[sflag:s0] =	ssyncadd.remote.s32 $0x1  }
0xbf: {  	_ =	sfence.sel $0xFFFF  }
0xc0: {  	[dreg:$0x0] =	wrdreg $0xFFFFFFFF;
	(pc) =	sbr.abs _section_cstart, $3  }
0xc1: {  	[dreg:$0x1] =	wrdreg $0xFFFFFFFF  }
0xc2: {  	_ =	task.clear_ibuf [dreg:s7], $0x2FFFF;
	_ =	strace $0x9FFFFFFF  }
0xc3: {  	(tm) =	ssettm $0x7FFFFFFF  }
tec
execute0_lowered:
.L_overlay_start_1:
0x0: {  	(tag) =	ssettag $0x1  }
0x1: {  	s7 =	rddreg [dreg:$0x0]  }
0x2: {  	s8 =	rddreg [dreg:$0x1]  }
0x3: {  	s2 =	rddreg [dreg:$0x2]  }
0x4: {  	s0 =	rddreg [dreg:$0x3];
	s4 =	srdreg.scid  }
0x5: {  	s1 =	stileid.u32;
	s3 =	simm.s32 $0x0;
	s15 =	simm.s32 $0x2000  }
0x6: {  	s16 =	simm.s32 $0x1;
	s17 =	simm.s32 $0x1C00;
	s18 =	simm.s32 $0x0  }
0x7: {  	s9 =	sand.u32 $0x1, s4;
	s10 =	smul.u32 $0x2800, s1;
	[smem:$0x7FF] =	sst s3  }
0x8: {  	s4 =	sadd.s32 $0x76A00, s7;
	s5 =	sadd.s32 $0x62A00, s7;
	s13 =	smul.u32 $0x50000, s1  }
0x9: {  	s14 =	sshll.u32 s1, $0x6;
	s6 =	smul.u32 $0x28000, s9;
	s12 =	ssub.s32 $0x2, s9  }
0xa: {  	_ =	strace $0x8000004A;
	s9 =	sshll.u32 s9, $0x4;
	s30 =	sshrl.u32 s12, $0x1  }
0xb: {  	s31 =	sshrl.u32 s13, $0x2;
	s9 =	sor.u32 s1, s9;
	s11 =	sadd.s32 s10, s6  }
0xc: {  	s6 =	sadd.s32 $0x2A00, s7;
	s12 =	ssub.s32 s12, s30;
	s13 =	sadd.s32 s31, s2  }
0xd: {  	s9 =	smul.u32 $0x5000, s9;
	s11 =	sadd.s32 s11, s7;
	s7 =	sadd.s32 s8, s10  }
0xe: {  	s8 =	sor.u32 $0x1C03, s14;
	s14 =	simm.s32 $0x50;
	s10 =	sadd.s32 $0x8AA00, s11  }
0xf: {  	s11 =	smax.u32 s12, $0x1;
	s12 =	sshrl.u32 s13, $0x3;
	s13 =	simm.s32 $0x3  }
.LBB2_1:
0x10: {  	[spmem:s12], [sflag:s8] =	dma.local [hbm:s7], $0x2800  }
0x11: {  	_ =	swait.ge [sflag:s13], $0x2800  }
0x12: {  	[sflag:s13] =	ssyncset.done $0x0  }
0x13: {  	[sflag:s13] =	ssyncadd.s32 $0xFFFFD800  }
0x14: {  	s19 =	simm.s32 $0x0;
	[bflag:$0x0] =	sbarrier.arrive $0xFFFF  }
.LBB2_2:
0x15: {  	s20 =	sshll.u32 s19, $0xC  }
0x16: {  	s20 =	sadd.s32 s9, s20  }
0x17: {  	s20 =	sshrl.u32 s20, $0x3  }
0x18: {  	s21 =	sadd.s32 s4, s20  }
0x19: {  	[tilespmem:s3], [sflag:$0x3] =	stream.linear.gather [hbm4b:s21+s3], $0xC80, $0x38;
	[tilespmem:$0x1B000] =	vst v63  }
0x1a: {  	_ =	swait.ge [sflag:s13], $0xC80  }
0x1b: {  	s29 =	simm.s32 $0x1000;
	[sflag:s13] =	ssyncset.done $0x0  }
0x1c: {  	s30 =	simm.s32 $0x1;
	s20 =	sadd.s32 s5, s20;
	[sflag:s13] =	ssyncadd.s32 $0xFFFFF380  }
0x1d: {  	[tilespmem:s29], [sflag:$0x3] =	stream.linear.gather [hbm4b:s20+s3], $0xC80, $0x38;
	[tilespmem:$0x1B000] =	vst v63  }
0x1e: {  	s20 =	sand.u32 $0x1, s30  }
0x1f: {  	_ =	swait.ge [sflag:s13], $0xC80;
	s22 =	smul.u32 $0xA000, s20  }
0x20: {  	s24 =	simm.s32 $0x80;
	s23 =	sxor.u32 $0x1, s20;
	[sflag:s13] =	ssyncset.done $0x0  }
0x21: {  	s20 =	sadd.s32 $0x1, s20;
	[sflag:s13] =	ssyncadd.s32 $0xFFFFF380;
	s22 =	sshrl.u32 s22, $0x2  }
0x22: {  	[tilespmem:s15], [sflag:$0x1] =	stream.indirect.gather [hbm4b:s6+s14], $0x80, s3, s14, $0xb8;
	[tilespmem:$0x1B000] =	vst v63  }
0x23: {  	s25 =	smul.u32 $0xA000, s23;
	s23 =	sadd.s32 $0x1, s23;
	s22 =	sadd.s32 $0x2000, s22  }
0x24: {  	[tilespmem:s22], [sflag:s20] =	stream.indirect.gather [hbm4b:s6+s14], $0x80, s24, s14, $0xb8;
	[tilespmem:$0x1B000] =	vst v63  }
0x25: {  	s31 =	simm.s32 $0x2;
	s25 =	sshrl.u32 s25, $0x2;
	_ =	swait.ge [sflag:s23], $0x2800  }
0x26: {  	s21 =	simm.s32 $0x1080;
	s25 =	sadd.s32 $0x2000, s25;
	[sflag:s23] =	ssyncset.done $0x0  }
0x27: {  	s24 =	simm.s32 $0x3;
	s22 =	sand.u32 $0x1, s31;
	[sflag:s23] =	ssyncadd.s32 $0xFFFFD800  }
0x28: {  	[spmem:s2] =	stream.indirect.scatter.add.f32 [tilespmem:s25], [sflag:$0x3], $0x80, s29, s14, $0xb8;
	[tilespmem:$0x1B000] =	vst v63  }
0x29: {  	s26 =	smul.u32 $0xA000, s22;
	s25 =	sxor.u32 $0x1, s22;
	_ =	swait.ge [sflag:s13], $0x2800  }
0x2a: {  	s20 =	simm.s32 $0x100;
	s23 =	smul.u32 $0xA000, s25;
	[sflag:s13] =	ssyncset.done $0x0  }
.LBB2_3:
0x2b: {  	s26 =	sshrl.u32 s26, $0x2;
	[sflag:s13] =	ssyncadd.s32 $0xFFFFD800  }
0x2c: {  	s28 =	smov.u32 s24;
	s29 =	sadd.s32 $0x1, s24;
	s22 =	sadd.s32 $0x1, s22  }
0x2d: {  	s25 =	sadd.s32 $0x1, s25;
	p0 =	sne.s32 s24, $0x18;
	s26 =	sadd.s32 $0x2000, s26  }
0x2e: {  	[tilespmem:s26], [sflag:s22] =	stream.indirect.gather [hbm4b:s6+s14], $0x80, s20, s14, $0xb8;
	[tilespmem:$0x1B000] =	vst v63  }
0x2f: {  	s23 =	sshrl.u32 s23, $0x2;
	s24 =	smov.u32 s29;
	_ =	swait.ge [sflag:s25], $0x2800  }
.Ltmp0:
0x30: {  	s20 =	sadd.s32 $0x80, s20;
	[sflag:s25] =	ssyncset.done $0x0;
	(pc) =	sbr.rel @p0 .LBB2_3-.Ltmp0, $4  }
0x31: {  	s22 =	sand.u32 $0x1, s28;
	s23 =	sadd.s32 $0x2000, s23;
	[sflag:s25] =	ssyncadd.s32 $0xFFFFD800  }
0x32: {  	[spmem:s2] =	stream.indirect.scatter.add.f32 [tilespmem:s23], [sflag:$0x3], $0x80, s21, s14, $0xb8;
	[tilespmem:$0x1B000] =	vst v63  }
0x33: {  	s26 =	smul.u32 $0xA000, s22;
	s25 =	sxor.u32 $0x1, s22;
	_ =	swait.ge [sflag:s13], $0x2800  }
0x34: {  	s23 =	smul.u32 $0xA000, s25;
	s21 =	sadd.s32 $0x80, s21;
	[sflag:s13] =	ssyncset.done $0x0  }
0x35: {  	s24 =	sshrl.u32 s26, $0x2;
	[sflag:s13] =	ssyncadd.s32 $0xFFFFD800  }
0x36: {  	s22 =	sadd.s32 $0x1, s22;
	s25 =	sadd.s32 $0x1, s25;
	s24 =	sadd.s32 $0x2000, s24  }
0x37: {  	[tilespmem:s24], [sflag:s22] =	stream.indirect.gather [hbm4b:s6+s14], $0x80, s20, s14, $0xb8;
	[tilespmem:$0x1B000] =	vst v63  }
0x38: {  	_ =	swait.ge [sflag:s25], $0x2800  }
0x39: {  	s31 =	sshrl.u32 s23, $0x2;
	[sflag:s25] =	ssyncset.done $0x0  }
0x3a: {  	s20 =	sadd.s32 $0x2000, s31;
	[sflag:s25] =	ssyncadd.s32 $0xFFFFD800  }
0x3b: {  	[spmem:s2] =	stream.indirect.scatter.add.f32 [tilespmem:s20], [sflag:$0x3], $0x80, s21, s14, $0xb8;
	[tilespmem:$0x1B000] =	vst v63  }
0x3c: {  	_ =	swait.ge [sflag:s13], $0x2800  }
0x3d: {  	[sflag:s13] =	ssyncset.done $0x0  }
0x3e: {  	[sflag:s13] =	ssyncadd.s32 $0xFFFFD800  }
0x3f: {  	s19 =	sadd.s32 $0x1, s19;
	_ =	swait.ge [sflag:s16], $0x2800  }
0x40: {  	p0 =	sne.s32 s19, $0x5;
	[sflag:s16] =	ssyncset.done $0x0  }
.Ltmp1:
0x41: {  	[sflag:s16] =	ssyncadd.s32 $0xFFFFD800;
	(pc) =	sbr.rel @p0 .LBB2_2-.Ltmp1, $4  }
0x42: {  	[spmem:s2] =	stream.indirect.scatter.add.f32 [tilespmem:s15], [sflag:$0x3], $0x80, s17, s14, $0xb8;
	[tilespmem:$0x1B000] =	vst v63  }
0x43: {  	_ =	swait.ge [sflag:s13], $0x2800  }
0x44: {  	[sflag:s13] =	ssyncset.done $0x0  }
0x45: {  	[sflag:s13] =	ssyncadd.s32 $0xFFFFD800  }
0x46: {  	s18 =	sadd.s32 $0x1, s18  }
0x47: {  	p0 =	sne.s32 s18, s11  }
.Ltmp2:
0x48: {  	[bflag:$0x0] =	sbarrier.arrive $0xFFFF;
	(pc) =	sbr.rel @p0 .LBB2_1-.Ltmp2, $4  }
0x49: {  	[hbm:s10], [sflag:s8] =	dma.local [spmem:s12], $0x2800  }
0x4a: {  	_ =	swait.ge [sflag:s13], $0x2800  }
0x4b: {  	[sflag:s13] =	ssyncset.done $0x0  }
0x4c: {  	[sflag:s13] =	ssyncadd.s32 $0xFFFFD800  }
0x4d: {  	_ =	sfence.sel $0x180000  }
0x4e: {  	[bflag:$0x0] =	sbarrier.arrive $0xFFFF  }
0x4f: {  	p0 =	sne.s32 s1, $0x0;
	_ =	strace $0x9000004A  }
0x50: {  	s0 =	sadd.s32 @!p0 $0x100000, s0;
	[bflag:$0x2] =	sbarrier.arrive $0xFFFF  }
0x51: {  	[sflag:s0] =	ssyncadd.tile.s32 @!p0 $0x1;
	_ =	shalt  }
.Lfunc_end2:
_tile_overlayer_lowered:
.L_overlay_start_2:
0x52: {  	(tag) =	ssettag $0x2  }
0x53: {  	s0 =	rddreg [dreg:$0x0];
	s2 =	stileid.u32  }
0x54: {  	s1 =	rddreg [dreg:$0x1];
	p0 =	sne.s32 s2, $0x0  }
0x55: {  	s3 =	rddreg [dreg:$0x2];
	[bflag:$0x3] =	sbarrier.arrive $0xFFFF;
	s2 =	simm.s32 @!p0 $0x1C03  }
0x56: {  	[timem:s3], [sflag:s2] =	dma.local @!p0 [hbm:s0], s1  }
0x57: {  	s0 =	simm.s32 @!p0 $0x3  }
0x58: {  	_ =	swait.ge @!p0 [sflag:s0], s1  }
0x59: {  	s1 =	ssub.s32 @!p0 $0x0, s1;
	[sflag:s0] =	ssyncset.done @!p0 $0x0  }
0x5a: {  	[sflag:s0] =	ssyncadd.s32 @!p0 s1  }
0x5b: {  	[bflag:$0x3] =	sbarrier.arrive $0xFFFF  }
0x5c: {  	_ =	shalt  }

// kernel: kernel.16.cloned.1.call-start
scs
__scs_entry_jumppad:
0x0: {  	(pc) =	sbr.rel $0x88, $3  }
0x1: {  	(tag) =	ssettag $0x0;
	lr =	simm.s32 $0x1  }
0x2: {  	[smem:$0x3F9B] =	sst lr;
	_ =	strace $0xD0000000  }
0x3: {  	_ = 	snop  }
0x4: {  	_ = 	snop  }
0x5: {  	_ = 	snop  }
0x6: {  	_ = 	snop  }
0x7: {  	_ = 	snop  }
__scs_overlays_trampoline_lowered:
0x8: {  	[smem:$0x3FAA] =	sst s0  }
0x9: {  	[smem:$0x3FAB] =	sst s1  }
0xa: {  	[smem:$0x3FAC] =	sst s2  }
0xb: {  	[smem:$0x3FAD] =	sst s3  }
0xc: {  	[smem:$0x3FAE] =	sst s4  }
0xd: {  	[smem:$0x3FAF] =	sst s5  }
0xe: {  	[smem:$0x3FB0] =	sst s6  }
0xf: {  	[smem:$0x3FB1] =	sst s7  }
0x10: {  	[smem:$0x3FB2] =	sst s8  }
0x11: {  	[smem:$0x3FB3] =	sst s9;
	s0 =	simm.s32 @!p0 $0x0  }
0x12: {  	s1 =	sld [smem:$0x3F99];
	s0 =	simm.s32 @p0 $0x1  }
0x13: {  	[smem:$0x3FB4] =	sst s0;
	s0 =	simm.s32 @!p1 $0x0  }
0x14: {  	s2 =	sld [smem:$0x3F98];
	s0 =	simm.s32 @p1 $0x1  }
0x15: {  	[smem:$0x3FB5] =	sst s0;
	s0 =	simm.s32 @!p2 $0x0  }
0x16: {  	s3 =	sld [smem:$0x3FDB];
	s0 =	simm.s32 @p2 $0x1  }
0x17: {  	s4 =	simm.s32 $0x1BF5;
	[smem:$0x3FB7] =	sst s0  }
0x18: {  	s0 =	sld [smem:$0x3F9A];
	_ =	swait.ge [sflag:s4], $0x0  }
0x19: {  	s7 =	sld [smem:$0x3F9B]  }
0x1a: {  	s8 =	sadd.s32 $0xFFFFE003, lr  }
0x1b: {  	s9 =	sadd.s32 $0xFFFFFEF7, lr;
	s5 =	simm.s32 $0xFFFFFFFF;
	p2 =	slt.u32 s8, $0xFFFFF086  }
0x1c: {  	p1 =	slt.u32 s9, $0xF7A;
	s5 =	simm.s32 @!p2 $0x0  }
0x1d: {  	s5 =	simm.s32 @p1 $0x1;
	p0 =	seq.s32 s7, s2  }
0x1e: {  	s7 =	smul.u32 @!p0 $0xF7A, s2;
	p2 =	seq.s32 @!p0 s5, $0x0  }
0x1f: {  	s9 =	smul.u32 $0xF7A, s1;
	s8 =	simm.s32 @!p0 $0x1BF5;
	p2 =	por !p2, p0  }
0x20: {  	[sflag:s8] =	ssyncset.s32 @!p0 $0xFFFFF086;
	s6 =	sadd.s32 @!p0 s3, s7;
	s7 =	simm.s32 @!p0 $0x108  }
0x21: {  	s3 =	sadd.s32 s3, s9;
	s6 =	sadd.s32 @!p0 $0x88, s6;
	s7 =	simm.s32 @p2 $0x1082  }
0x22: {  	[simem:s7], [sflag:s8] =	dma.local @!p0 [hbm:s6], $0xF7A  }
0x23: {  	s9 =	sor.u32 $0xD0000000, s2;
	s6 =	simm.s32 $0x108;
	_ =	swait.ge @!p0 [sflag:s8], $0x0  }
0x24: {  	s3 =	sadd.s32 $0x88, s3;
	s6 =	simm.s32 @!p1 $0x1082;
	[sflag:s4] =	ssyncset.s32 $0xFFFFF086  }
0x25: {  	[simem:s6], [sflag:s4] =	dma.local [hbm:s3], $0xF7A  }
0x26: {  	[smem:$0x3F9B] =	sst s1;
	(tag) =	ssettag s2;
	_ =	strace s9  }
0x27: {  	s1 =	sld [smem:$0x3FAB]  }
0x28: {  	s2 =	sld [smem:$0x3FAC]  }
0x29: {  	s4 =	sld [smem:$0x3FAE]  }
0x2a: {  	p0 =	seq.s32 s5, $0x0;
	s5 =	sld [smem:$0x3FAF]  }
0x2b: {  	s6 =	sld [smem:$0x3FB0]  }
0x2c: {  	s7 =	sld [smem:$0x3FB1]  }
0x2d: {  	s3 =	simm.s32 $0x108;
	s8 =	sld [smem:$0x3FB2]  }
0x2e: {  	s3 =	simm.s32 @!p0 $0x1082;
	s9 =	sld [smem:$0x3FB3]  }
0x2f: {  	lr =	sadd.s32 s0, s3;
	s0 =	sld [smem:$0x3FAA]  }
0x30: {  	s3 =	sld [smem:$0x3FAD]  }
0x31: {  	[smem:$0x3FB6] =	sst s10  }
0x32: {  	s10 =	sld [smem:$0x3FB4];
	_ =	sdelay $0x3  }
0x33: {  	p0 =	seq.s32 s10, $0x1;
	s10 =	sld [smem:$0x3FB6];
	_ =	sdelay $0x3  }
0x34: {  	[smem:$0x3FB6] =	sst s10  }
0x35: {  	s10 =	sld [smem:$0x3FB5];
	_ =	sdelay $0x3  }
0x36: {  	p1 =	seq.s32 s10, $0x1;
	s10 =	sld [smem:$0x3FB6];
	_ =	sdelay $0x3  }
0x37: {  	[smem:$0x3FB6] =	sst s10  }
0x38: {  	s10 =	sld [smem:$0x3FB7]  }
0x39: {  	_ = 	snop;
	(pc) =	sbr.ind lr, $3  }
0x3a: {  	_ = 	snop  }
0x3b: {  	_ = 	snop  }
0x3c: {  	p2 =	seq.s32 s10, $0x1;
	s10 =	sld [smem:$0x3FB6]  }
0x3d: {  	_ =	shalt  }
0x3e: {  	_ =	shalt  }
0x3f: {  	_ =	shalt  }
0x40: {  	_ =	shalt  }
0x41: {  	_ =	shalt  }
0x42: {  	_ =	shalt  }
0x43: {  	_ =	shalt  }
0x44: {  	_ =	shalt  }
0x45: {  	_ =	shalt  }
0x46: {  	_ =	shalt  }
0x47: {  	_ =	shalt  }
0x48: {  	_ =	shalt  }
0x49: {  	_ =	shalt  }
0x4a: {  	_ =	shalt  }
0x4b: {  	_ =	shalt  }
0x4c: {  	_ =	shalt  }
0x4d: {  	_ =	shalt  }
0x4e: {  	_ =	shalt  }
0x4f: {  	_ =	shalt  }
0x50: {  	_ =	shalt  }
0x51: {  	_ =	shalt  }
0x52: {  	_ =	shalt  }
0x53: {  	_ =	shalt  }
0x54: {  	_ =	shalt  }
0x55: {  	_ =	shalt  }
0x56: {  	_ =	shalt  }
0x57: {  	_ =	shalt  }
0x58: {  	_ =	shalt  }
0x59: {  	_ =	shalt  }
0x5a: {  	_ =	shalt  }
0x5b: {  	_ =	shalt  }
0x5c: {  	_ =	shalt  }
0x5d: {  	_ =	shalt  }
0x5e: {  	_ =	shalt  }
0x5f: {  	_ =	shalt  }
0x60: {  	_ =	shalt  }
0x61: {  	_ =	shalt  }
0x62: {  	_ =	shalt  }
0x63: {  	_ =	shalt  }
0x64: {  	_ =	shalt  }
0x65: {  	_ =	shalt  }
0x66: {  	_ =	shalt  }
0x67: {  	_ =	shalt  }
0x68: {  	_ =	shalt  }
0x69: {  	_ =	shalt  }
0x6a: {  	_ =	shalt  }
0x6b: {  	_ =	shalt  }
0x6c: {  	_ =	shalt  }
0x6d: {  	_ =	shalt  }
0x6e: {  	_ =	shalt  }
0x6f: {  	_ =	shalt  }
0x70: {  	_ =	shalt  }
0x71: {  	_ =	shalt  }
0x72: {  	_ =	shalt  }
0x73: {  	_ =	shalt  }
0x74: {  	_ =	shalt  }
0x75: {  	_ =	shalt  }
0x76: {  	_ =	shalt  }
0x77: {  	_ =	shalt  }
0x78: {  	_ =	shalt  }
0x79: {  	_ =	shalt  }
0x7a: {  	_ =	shalt  }
0x7b: {  	_ =	shalt  }
0x7c: {  	_ =	shalt  }
0x7d: {  	_ =	shalt  }
0x7e: {  	_ =	shalt  }
0x7f: {  	_ =	shalt  }
0x80: {  	_ =	shalt  }
0x81: {  	_ =	shalt  }
0x82: {  	_ =	shalt  }
0x83: {  	_ =	shalt  }
0x84: {  	_ =	shalt  }
0x85: {  	_ =	shalt  }
0x86: {  	_ =	shalt  }
0x87: {  	_ =	shalt  }
.Lfunc_end0:
.L_simem_size_0:
called_computation.2_lowered:
.L_overlay_start_0:
0x88: {  	s2 =	sld [smem:$0x3FD9]  }
0x89: {  	s3 =	sld [smem:$0x3FFE];
	_ =	sdelay $0x1  }
0x8a: {  	s1 =	srdreg.scid  }
0x8b: {  	s0 =	sand.u32 $0x1, s1  }
0x8c: {  	s17 =	sshll.u32 s0, $0xA;
	s2 =	sadd.s32 s3, s2  }
0x8d: {  	s2 =	sadd.s32 s2, s17  }
0x8e: {  	[smem:$0x3FC2] =	sst s2  }
0x8f: {  	_ = 	snop  }
0x90: {  	s2 =	sld [smem:$0x3FD0];
	(tm) =	ssettm $0x1  }
0x91: {  	s18 =	sld [smem:$0x3FFB];
	_ =	sdelay $0x3  }
0x92: {  	_ =	strace s18  }
0x93: {  	s3 =	sld [smem:$0x3FFC];
	_ =	sdelay $0x3  }
0x94: {  	_ =	strace s3  }
0x95: {  	s3 =	sld [smem:$0x3FFD];
	_ =	sdelay $0x3  }
0x96: {  	_ =	strace s3  }
0x97: {  	_ =	strace $0x8FFFFFFF  }
0x98: {  	s19 =	sld [smem:$0x3FDB];
	_ =	sdelay $0x1  }
0x99: {  	s4 =	simm.s32 $_scs_section_size  }
0x9a: {  	s5 =	simm.s32 $_size__tile_overlayer_lowered;
	s6 =	simm.s32 $_tile_overlayer_lowered  }
0x9b: {  	s22 =	simm.s32 $0x1BFF;
	s21 =	sshll.u32 s6, $0x1;
	s3 =	sadd.s32 s4, s19  }
0x9c: {  	s7 =	simm.s32 $0x0;
	s20 =	sshll.u32 s5, $0x1;
	s5 =	sadd.s32 s21, s3  }
0x9d: {  	[timem:s7], [sflag:s22] =	dma.local [hbm:s5], s20  }
0x9e: {  	_ =	swait.ge [sflag:s22], s20  }
0x9f: {  	s4 =	ssub.s32 $0x0, s20;
	[sflag:s22] =	ssyncset.done $0x0  }
0xa0: {  	[sflag:s22] =	ssyncadd.s32 s4;
	_ =	sdelay $0x1  }
0xa1: {  	s23 =	simm.s32 $0x1B8B  }
0xa2: {  	_ =	swait.ge [sflag:s23], $0x1  }
0xa3: {  	[sflag:s23] =	ssyncset.done $0x0  }
0xa4: {  	s25 =	simm.s32 $0x1B8E;
	s24 =	sld [smem:$0x3FFE];
	[sflag:s23] =	ssyncadd.s32 $0xFFFFFFFF  }
0xa5: {  	s26 =	simm.s32 $execute0_lowered;
	[smem:$0x3FD2] =	sst s25  }
0xa6: {  	s5 =	sshll.u32 s26, $0x1;
	_ =	strace $0x8000004C;
	[dreg:$0x1] =	wrdreg $0xFFFFFFFF  }
0xa7: {  	s28 =	simm.s32 $_size_execute0_lowered;
	s3 =	sadd.s32 s3, s5;
	[dreg:$0x0] =	wrdreg $0x0  }
0xa8: {  	s5 =	sshll.u32 s28, $0x1;
	[dreg:$0x2] =	wrdreg s3  }
0xa9: {  	[dreg:$0x3] =	wrdreg s5  }
0xaa: {  	[dreg:$0x4] =	wrdreg $0xC0  }
0xab: {  	_ =	task [dreg:s7], $0x5FFFF  }
0xac: {  	[dreg:$0x1] =	wrdreg $0xFFFFFFFF  }
0xad: {  	[dreg:$0x0] =	wrdreg $0x60  }
0xae: {  	[dreg:$0x2] =	wrdreg s24  }
0xaf: {  	[dreg:$0x3] =	wrdreg s2  }
0xb0: {  	[dreg:$0x4] =	wrdreg $0x70000  }
0xb1: {  	[dreg:$0x5] =	wrdreg $0x9  }
0xb2: {  	_ =	task.clear_ibuf [dreg:s7], $0x6FFFF;
	_ =	strace $0x9000004C  }
0xb3: {  	s29 =	simm.s32 $0x9;
	_ =	strace $0x8000004E  }
0xb4: {  	_ =	swait.ge [sflag:s29], $0x1  }
0xb5: {  	[sflag:s29] =	ssyncadd.s32 $0xFFFFFFFF  }
0xb6: {  	_ =	strace $0x9000004E  }
0xb7: {  	_ =	sfence  }
0xb8: {  	s30 =	sld [smem:$0x0];
	_ =	sdelay $0x2  }
0xb9: {  	s31 =	sshll.u32 s1, $0xD;
	s1 =	sshrl.u32 s1, $0x2  }
0xba: {  	s3 =	sand.u32 $0x4000, s31;
	s1 =	sadd.s32 s1, s30  }
0xbb: {  	s0 =	sor.u32 s3, s0;
	s1 =	sshll.u32 s1, $0x11  }
0xbc: {  	s0 =	sor.u32 s1, s0  }
0xbd: {  	s0 =	sadd.s32 $0x8F2B, s0  }
0xbe: {  	[sflag:s0] =	ssyncadd.remote.s32 $0x1  }
0xbf: {  	_ =	sfence.sel $0xFFFF  }
0xc0: {  	[dreg:$0x0] =	wrdreg $0xFFFFFFFF;
	(pc) =	sbr.abs _section_cstart, $3  }
0xc1: {  	[dreg:$0x1] =	wrdreg $0xFFFFFFFF  }
0xc2: {  	_ =	task.clear_ibuf [dreg:s7], $0x2FFFF;
	_ =	strace $0x9FFFFFFF  }
0xc3: {  	(tm) =	ssettm $0x7FFFFFFF  }
tec
execute0_lowered:
.L_overlay_start_1:
0x0: {  	(tag) =	ssettag $0x1  }
0x1: {  	s7 =	rddreg [dreg:$0x0]  }
0x2: {  	s8 =	rddreg [dreg:$0x1]  }
0x3: {  	s2 =	rddreg [dreg:$0x2]  }
0x4: {  	s0 =	rddreg [dreg:$0x3];
	s3 =	simm.s32 $0x0;
	s4 =	srdreg.scid  }
0x5: {  	s1 =	stileid.u32;
	s15 =	simm.s32 $0x50;
	s16 =	simm.s32 $0x2000  }
0x6: {  	s18 =	simm.s32 $0x1C00;
	s19 =	simm.s32 $0x0;
	s10 =	smul.u32 $0x280, s1  }
0x7: {  	[smem:$0x7FF] =	sst s3;
	s9 =	sand.u32 $0x1, s4;
	s11 =	smul.u32 $0x50000, s1  }
0x8: {  	s4 =	sadd.s32 $0x2AA00, s7;
	s5 =	sadd.s32 $0x3EA00, s7;
	s13 =	smul.u32 $0x2800, s1  }
0x9: {  	s6 =	sadd.s32 $0x52A00, s7;
	s17 =	smul.u32 $0x2800, s9;
	s9 =	ssub.s32 $0x2, s9  }
0xa: {  	s31 =	sshll.u32 s1, $0x6;
	_ =	strace $0x8000004D;
	s12 =	sshrl.u32 s9, $0x1  }
0xb: {  	s30 =	sshrl.u32 s11, $0x2;
	s10 =	sadd.s32 s10, s17;
	s12 =	ssub.s32 s9, s12  }
0xc: {  	s14 =	sadd.s32 s30, s2;
	s9 =	smul.u32 $0xA000, s1;
	v0 =	vmov s17;
	s17 =	simm.s32 $0x1  }
0xd: {  	s10 =	sshll.u32 s10, $0x4;
	s11 =	smax.u32 s12, $0x1;
	s12 =	sshrl.u32 s14, $0x3  }
0xe: {  	s14 =	simm.s32 $0x1000;
	s10 =	sadd.s32 s10, s7;
	s7 =	sadd.s32 s8, s13  }
0xf: {  	s8 =	sor.u32 $0x1C03, s31;
	s13 =	simm.s32 $0x3;
	s10 =	sadd.s32 $0xA2A00, s10  }
.LBB2_1:
0x10: {  	[spmem:s12], [sflag:s8] =	dma.local [hbm:s7], $0x2800  }
0x11: {  	_ =	swait.ge [sflag:s13], $0x2800  }
0x12: {  	[sflag:s13] =	ssyncset.done $0x0  }
0x13: {  	[sflag:s13] =	ssyncadd.s32 $0xFFFFD800  }
0x14: {  	s20 =	simm.s32 $0x0;
	[bflag:$0x0] =	sbarrier.arrive $0xFFFF  }
.LBB2_2:
0x15: {  	s21 =	sshll.u32 s20, $0xC  }
0x16: {  	s21 =	sadd.s32 s9, s21  }
0x17: {  	s21 =	sshrl.u32 s21, $0x3  }
0x18: {  	s22 =	sadd.s32 s4, s21  }
0x19: {  	[tilespmem:s3], [sflag:$0x3] =	stream.linear.gather [hbm4b:s22+s3], $0xC80, $0x38;
	[tilespmem:$0x1B000] =	vst v63  }
0x1a: {  	_ =	swait.ge [sflag:s13], $0xC80  }
0x1b: {  	[sflag:s13] =	ssyncset.done $0x0  }
0x1c: {  	s21 =	sadd.s32 s5, s21;
	[sflag:s13] =	ssyncadd.s32 $0xFFFFF380  }
0x1d: {  	[tilespmem:s14], [sflag:$0x3] =	stream.linear.gather [hbm4b:s21+s3], $0xC80, $0x38;
	[tilespmem:$0x1B000] =	vst v63  }
0x1e: {  	_ =	swait.ge [sflag:s13], $0xC80  }
0x1f: {  	[sflag:s13] =	ssyncset.done $0x0  }
0x20: {  	s21 =	simm.s32 $0x40;
	[sflag:s13] =	ssyncadd.s32 $0xFFFFF380  }
0x21: {  	v1 =	vld [tilespmem:s21+$0xFFFFFFC0]  }
0x22: {  	v2 =	vld [tilespmem:s21+$0xFFFFFFD0]  }
0x23: {  	v3 =	vld [tilespmem:s21+$0xFFFFFFE0]  }
0x24: {  	v4 =	vld [tilespmem:s21+$0x0]  }
0x25: {  	v5 =	vld [tilespmem:s21+$0xFFFFFFF0]  }
0x26: {  	v1 =	vadd.s32 v0, v1  }
0x27: {  	s22 =	simm.s32 $0xC0;
	v2 =	vadd.s32 v0, v2;
	[tilespmem:s21+$0xFFFFFFC0] =	vst v1  }
0x28: {  	v3 =	vadd.s32 v0, v3;
	v1 =	vld [tilespmem:s22+$0xFFFFFFC0];
	[tilespmem:s21+$0xFFFFFFD0] =	vst v2  }
0x29: {  	v6 =	vadd.s32 v0, v4;
	v2 =	vld [tilespmem:s22+$0xFFFFFFD0];
	[tilespmem:s21+$0xFFFFFFE0] =	vst v3  }
0x2a: {  	s23 =	simm.s32 $0x500;
	v4 =	vadd.s32 v0, v5;
	v3 =	vld [tilespmem:s22+$0xFFFFFFE0];
	[tilespmem:s21+$0x0] =	vst v6  }
.LBB2_3:
0x2b: {  	p0 =	sne.s32 s23, $0x3100;
	v5 =	vld [tilespmem:s22+$0x0];
	[tilespmem:s21+$0xFFFFFFF0] =	vst v4;
	s21 =	smov.u32 s22  }
0x2c: {  	v4 =	vld [tilespmem:s21+$0xFFFFFFF0]  }
.Ltmp0:
0x2d: {  	v1 =	vadd.s32 v0, v1;
	(pc) =	sbr.rel @p0 .LBB2_3-.Ltmp0, $4  }
0x2e: {  	s22 =	sshra.s32 s23, $0x2;
	[tilespmem:s21+$0xFFFFFFC0] =	vst v1;
	v2 =	vadd.s32 v0, v2  }
0x2f: {  	v1 =	vld [tilespmem:s22+$0xFFFFFFC0];
	[tilespmem:s21+$0xFFFFFFD0] =	vst v2;
	v3 =	vadd.s32 v0, v3  }
0x30: {  	v2 =	vld [tilespmem:s22+$0xFFFFFFD0];
	[tilespmem:s21+$0xFFFFFFE0] =	vst v3;
	v5 =	vadd.s32 v0, v5  }
0x31: {  	s23 =	sadd.s32 $0x200, s23;
	v3 =	vld [tilespmem:s22+$0xFFFFFFE0];
	v4 =	vadd.s32 v0, v4;
	[tilespmem:s21+$0x0] =	vst v5  }
0x32: {  	v5 =	vld [tilespmem:s22+$0x0];
	[tilespmem:s21+$0xFFFFFFF0] =	vst v4  }
0x33: {  	v4 =	vld [tilespmem:s22+$0xFFFFFFF0]  }
0x34: {  	v1 =	vadd.s32 v0, v1  }
0x35: {  	s26 =	simm.s32 $0x1;
	[tilespmem:s22+$0xFFFFFFC0] =	vst v1;
	v1 =	vadd.s32 v0, v2  }
0x36: {  	s21 =	sand.u32 $0x1, s26;
	[tilespmem:s22+$0xFFFFFFD0] =	vst v1;
	v1 =	vadd.s32 v0, v3  }
0x37: {  	s29 =	smul.u32 $0xA000, s21;
	[tilespmem:s22+$0xFFFFFFE0] =	vst v1;
	v1 =	vadd.s32 v0, v5  }
0x38: {  	s24 =	simm.s32 $0x1000;
	s25 =	simm.s32 $0x80;
	v2 =	vadd.s32 v0, v4;
	[tilespmem:s22+$0x0] =	vst v1  }
0x39: {  	s23 =	sxor.u32 $0x1, s21;
	s21 =	sadd.s32 $0x1, s21;
	[tilespmem:s22+$0xFFFFFFF0] =	vst v2;
	s22 =	sshrl.u32 s29, $0x2  }
0x3a: {  	[tilespmem:s16], [sflag:$0x1] =	stream.indirect.gather [hbm4b:s6+s15], $0x80, s3, s15, $0xb8;
	[tilespmem:$0x1B000] =	vst v63  }
0x3b: {  	s26 =	smul.u32 $0xA000, s23;
	s28 =	sadd.s32 $0x1, s23;
	s22 =	sadd.s32 $0x2000, s22  }
0x3c: {  	[tilespmem:s22], [sflag:s21] =	stream.indirect.gather [hbm4b:s6+s15], $0x80, s25, s15, $0xb8;
	[tilespmem:$0x1B000] =	vst v63  }
0x3d: {  	s30 =	simm.s32 $0x2;
	s26 =	sshrl.u32 s26, $0x2;
	_ =	swait.ge [sflag:s28], $0x2800  }
0x3e: {  	s23 =	sand.u32 $0x1, s30;
	s31 =	sadd.s32 $0x2000, s26;
	[sflag:s28] =	ssyncset.done $0x0  }
0x3f: {  	s26 =	sxor.u32 $0x1, s23;
	s25 =	simm.s32 $0x3;
	[sflag:s28] =	ssyncadd.s32 $0xFFFFD800  }
0x40: {  	[spmem:s2] =	stream.indirect.scatter.add.f32 [tilespmem:s31], [sflag:$0x3], $0x80, s24, s15, $0xb8;
	[tilespmem:$0x1B000] =	vst v63  }
0x41: {  	s21 =	simm.s32 $0x100;
	s28 =	smul.u32 $0xA000, s23;
	_ =	swait.ge [sflag:s13], $0x2800  }
0x42: {  	s22 =	simm.s32 $0x1080;
	s24 =	smul.u32 $0xA000, s26;
	[sflag:s13] =	ssyncset.done $0x0  }
.LBB2_5:
0x43: {  	s28 =	sshrl.u32 s28, $0x2;
	[sflag:s13] =	ssyncadd.s32 $0xFFFFD800  }
0x44: {  	s29 =	smov.u32 s25;
	s30 =	sadd.s32 $0x1, s25;
	s23 =	sadd.s32 $0x1, s23  }
0x45: {  	s26 =	sadd.s32 $0x1, s26;
	p0 =	sne.s32 s25, $0x18;
	s28 =	sadd.s32 $0x2000, s28  }
0x46: {  	[tilespmem:s28], [sflag:s23] =	stream.indirect.gather [hbm4b:s6+s15], $0x80, s21, s15, $0xb8;
	[tilespmem:$0x1B000] =	vst v63  }
0x47: {  	s24 =	sshrl.u32 s24, $0x2;
	s25 =	smov.u32 s30;
	_ =	swait.ge [sflag:s26], $0x2800  }
.Ltmp1:
0x48: {  	s21 =	sadd.s32 $0x80, s21;
	[sflag:s26] =	ssyncset.done $0x0;
	(pc) =	sbr.rel @p0 .LBB2_5-.Ltmp1, $4  }
0x49: {  	s23 =	sand.u32 $0x1, s29;
	s24 =	sadd.s32 $0x2000, s24;
	[sflag:s26] =	ssyncadd.s32 $0xFFFFD800  }
0x4a: {  	[spmem:s2] =	stream.indirect.scatter.add.f32 [tilespmem:s24], [sflag:$0x3], $0x80, s22, s15, $0xb8;
	[tilespmem:$0x1B000] =	vst v63  }
0x4b: {  	s28 =	smul.u32 $0xA000, s23;
	s26 =	sxor.u32 $0x1, s23;
	_ =	swait.ge [sflag:s13], $0x2800  }
0x4c: {  	s24 =	smul.u32 $0xA000, s26;
	s22 =	sadd.s32 $0x80, s22;
	[sflag:s13] =	ssyncset.done $0x0  }
0x4d: {  	s25 =	sshrl.u32 s28, $0x2;
	[sflag:s13] =	ssyncadd.s32 $0xFFFFD800  }
0x4e: {  	s23 =	sadd.s32 $0x1, s23;
	s26 =	sadd.s32 $0x1, s26;
	s25 =	sadd.s32 $0x2000, s25  }
0x4f: {  	[tilespmem:s25], [sflag:s23] =	stream.indirect.gather [hbm4b:s6+s15], $0x80, s21, s15, $0xb8;
	[tilespmem:$0x1B000] =	vst v63  }
0x50: {  	_ =	swait.ge [sflag:s26], $0x2800  }
0x51: {  	s31 =	sshrl.u32 s24, $0x2;
	[sflag:s26] =	ssyncset.done $0x0  }
0x52: {  	s21 =	sadd.s32 $0x2000, s31;
	[sflag:s26] =	ssyncadd.s32 $0xFFFFD800  }
0x53: {  	[spmem:s2] =	stream.indirect.scatter.add.f32 [tilespmem:s21], [sflag:$0x3], $0x80, s22, s15, $0xb8;
	[tilespmem:$0x1B000] =	vst v63  }
0x54: {  	_ =	swait.ge [sflag:s13], $0x2800  }
0x55: {  	[sflag:s13] =	ssyncset.done $0x0  }
0x56: {  	[sflag:s13] =	ssyncadd.s32 $0xFFFFD800  }
0x57: {  	s20 =	sadd.s32 $0x1, s20;
	_ =	swait.ge [sflag:s17], $0x2800  }
0x58: {  	p0 =	sne.s32 s20, $0xA;
	[sflag:s17] =	ssyncset.done $0x0  }
.Ltmp2:
0x59: {  	[sflag:s17] =	ssyncadd.s32 $0xFFFFD800;
	(pc) =	sbr.rel @p0 .LBB2_2-.Ltmp2, $4  }
0x5a: {  	[spmem:s2] =	stream.indirect.scatter.add.f32 [tilespmem:s16], [sflag:$0x3], $0x80, s18, s15, $0xb8;
	[tilespmem:$0x1B000] =	vst v63  }
0x5b: {  	_ =	swait.ge [sflag:s13], $0x2800  }
0x5c: {  	[sflag:s13] =	ssyncset.done $0x0  }
0x5d: {  	[sflag:s13] =	ssyncadd.s32 $0xFFFFD800  }
0x5e: {  	s19 =	sadd.s32 $0x1, s19  }
0x5f: {  	p0 =	sne.s32 s19, s11  }
.Ltmp3:
0x60: {  	[bflag:$0x0] =	sbarrier.arrive $0xFFFF;
	(pc) =	sbr.rel @p0 .LBB2_1-.Ltmp3, $4  }
0x61: {  	[hbm:s10], [sflag:s8] =	dma.local [spmem:s12], $0x2800  }
0x62: {  	_ =	swait.ge [sflag:s13], $0x2800  }
0x63: {  	[sflag:s13] =	ssyncset.done $0x0  }
0x64: {  	[sflag:s13] =	ssyncadd.s32 $0xFFFFD800  }
0x65: {  	_ =	sfence.sel $0x180000  }
0x66: {  	[bflag:$0x0] =	sbarrier.arrive $0xFFFF  }
0x67: {  	p0 =	sne.s32 s1, $0x0;
	_ =	strace $0x9000004D  }
0x68: {  	s0 =	sadd.s32 @!p0 $0x100000, s0;
	[bflag:$0x2] =	sbarrier.arrive $0xFFFF  }
0x69: {  	[sflag:s0] =	ssyncadd.tile.s32 @!p0 $0x1;
	_ =	shalt  }
.Lfunc_end2:
_tile_overlayer_lowered:
.L_overlay_start_2:
0x6a: {  	(tag) =	ssettag $0x2  }
0x6b: {  	s0 =	rddreg [dreg:$0x0];
	s2 =	stileid.u32  }
0x6c: {  	s1 =	rddreg [dreg:$0x1];
	p0 =	sne.s32 s2, $0x0  }
0x6d: {  	s3 =	rddreg [dreg:$0x2];
	[bflag:$0x3] =	sbarrier.arrive $0xFFFF;
	s2 =	simm.s32 @!p0 $0x1C03  }
0x6e: {  	[timem:s3], [sflag:s2] =	dma.local @!p0 [hbm:s0], s1  }
0x6f: {  	s0 =	simm.s32 @!p0 $0x3  }
0x70: {  	_ =	swait.ge @!p0 [sflag:s0], s1  }
0x71: {  	s1 =	ssub.s32 @!p0 $0x0, s1;
	[sflag:s0] =	ssyncset.done @!p0 $0x0  }
0x72: {  	[sflag:s0] =	ssyncadd.s32 @!p0 s1  }
0x73: {  	[bflag:$0x3] =	sbarrier.arrive $0xFFFF  }
0x74: {  	_ =	shalt  }

// kernel: kernel.19.cloned.1.call-start
scs
__scs_entry_jumppad:
0x0: {  	(pc) =	sbr.rel $0x88, $3  }
0x1: {  	(tag) =	ssettag $0x0;
	lr =	simm.s32 $0x1  }
0x2: {  	[smem:$0x3F9B] =	sst lr;
	_ =	strace $0xD0000000  }
0x3: {  	_ = 	snop  }
0x4: {  	_ = 	snop  }
0x5: {  	_ = 	snop  }
0x6: {  	_ = 	snop  }
0x7: {  	_ = 	snop  }
__scs_overlays_trampoline_lowered:
0x8: {  	[smem:$0x3FAA] =	sst s0  }
0x9: {  	[smem:$0x3FAB] =	sst s1  }
0xa: {  	[smem:$0x3FAC] =	sst s2  }
0xb: {  	[smem:$0x3FAD] =	sst s3  }
0xc: {  	[smem:$0x3FAE] =	sst s4  }
0xd: {  	[smem:$0x3FAF] =	sst s5  }
0xe: {  	[smem:$0x3FB0] =	sst s6  }
0xf: {  	[smem:$0x3FB1] =	sst s7  }
0x10: {  	[smem:$0x3FB2] =	sst s8  }
0x11: {  	[smem:$0x3FB3] =	sst s9;
	s0 =	simm.s32 @!p0 $0x0  }
0x12: {  	s1 =	sld [smem:$0x3F99];
	s0 =	simm.s32 @p0 $0x1  }
0x13: {  	[smem:$0x3FB4] =	sst s0;
	s0 =	simm.s32 @!p1 $0x0  }
0x14: {  	s2 =	sld [smem:$0x3F98];
	s0 =	simm.s32 @p1 $0x1  }
0x15: {  	[smem:$0x3FB5] =	sst s0;
	s0 =	simm.s32 @!p2 $0x0  }
0x16: {  	s3 =	sld [smem:$0x3FDB];
	s0 =	simm.s32 @p2 $0x1  }
0x17: {  	s4 =	simm.s32 $0x1BF5;
	[smem:$0x3FB7] =	sst s0  }
0x18: {  	s0 =	sld [smem:$0x3F9A];
	_ =	swait.ge [sflag:s4], $0x0  }
0x19: {  	s7 =	sld [smem:$0x3F9B]  }
0x1a: {  	s8 =	sadd.s32 $0xFFFFE003, lr  }
0x1b: {  	s9 =	sadd.s32 $0xFFFFFEF7, lr;
	s5 =	simm.s32 $0xFFFFFFFF;
	p2 =	slt.u32 s8, $0xFFFFF086  }
0x1c: {  	p1 =	slt.u32 s9, $0xF7A;
	s5 =	simm.s32 @!p2 $0x0  }
0x1d: {  	s5 =	simm.s32 @p1 $0x1;
	p0 =	seq.s32 s7, s2  }
0x1e: {  	s7 =	smul.u32 @!p0 $0xF7A, s2;
	p2 =	seq.s32 @!p0 s5, $0x0  }
0x1f: {  	s9 =	smul.u32 $0xF7A, s1;
	s8 =	simm.s32 @!p0 $0x1BF5;
	p2 =	por !p2, p0  }
0x20: {  	[sflag:s8] =	ssyncset.s32 @!p0 $0xFFFFF086;
	s6 =	sadd.s32 @!p0 s3, s7;
	s7 =	simm.s32 @!p0 $0x108  }
0x21: {  	s3 =	sadd.s32 s3, s9;
	s6 =	sadd.s32 @!p0 $0x88, s6;
	s7 =	simm.s32 @p2 $0x1082  }
0x22: {  	[simem:s7], [sflag:s8] =	dma.local @!p0 [hbm:s6], $0xF7A  }
0x23: {  	s9 =	sor.u32 $0xD0000000, s2;
	s6 =	simm.s32 $0x108;
	_ =	swait.ge @!p0 [sflag:s8], $0x0  }
0x24: {  	s3 =	sadd.s32 $0x88, s3;
	s6 =	simm.s32 @!p1 $0x1082;
	[sflag:s4] =	ssyncset.s32 $0xFFFFF086  }
0x25: {  	[simem:s6], [sflag:s4] =	dma.local [hbm:s3], $0xF7A  }
0x26: {  	[smem:$0x3F9B] =	sst s1;
	(tag) =	ssettag s2;
	_ =	strace s9  }
0x27: {  	s1 =	sld [smem:$0x3FAB]  }
0x28: {  	s2 =	sld [smem:$0x3FAC]  }
0x29: {  	s4 =	sld [smem:$0x3FAE]  }
0x2a: {  	p0 =	seq.s32 s5, $0x0;
	s5 =	sld [smem:$0x3FAF]  }
0x2b: {  	s6 =	sld [smem:$0x3FB0]  }
0x2c: {  	s7 =	sld [smem:$0x3FB1]  }
0x2d: {  	s3 =	simm.s32 $0x108;
	s8 =	sld [smem:$0x3FB2]  }
0x2e: {  	s3 =	simm.s32 @!p0 $0x1082;
	s9 =	sld [smem:$0x3FB3]  }
0x2f: {  	lr =	sadd.s32 s0, s3;
	s0 =	sld [smem:$0x3FAA]  }
0x30: {  	s3 =	sld [smem:$0x3FAD]  }
0x31: {  	[smem:$0x3FB6] =	sst s10  }
0x32: {  	s10 =	sld [smem:$0x3FB4];
	_ =	sdelay $0x3  }
0x33: {  	p0 =	seq.s32 s10, $0x1;
	s10 =	sld [smem:$0x3FB6];
	_ =	sdelay $0x3  }
0x34: {  	[smem:$0x3FB6] =	sst s10  }
0x35: {  	s10 =	sld [smem:$0x3FB5];
	_ =	sdelay $0x3  }
0x36: {  	p1 =	seq.s32 s10, $0x1;
	s10 =	sld [smem:$0x3FB6];
	_ =	sdelay $0x3  }
0x37: {  	[smem:$0x3FB6] =	sst s10  }
0x38: {  	s10 =	sld [smem:$0x3FB7]  }
0x39: {  	_ = 	snop;
	(pc) =	sbr.ind lr, $3  }
0x3a: {  	_ = 	snop  }
0x3b: {  	_ = 	snop  }
0x3c: {  	p2 =	seq.s32 s10, $0x1;
	s10 =	sld [smem:$0x3FB6]  }
0x3d: {  	_ =	shalt  }
0x3e: {  	_ =	shalt  }
0x3f: {  	_ =	shalt  }
0x40: {  	_ =	shalt  }
0x41: {  	_ =	shalt  }
0x42: {  	_ =	shalt  }
0x43: {  	_ =	shalt  }
0x44: {  	_ =	shalt  }
0x45: {  	_ =	shalt  }
0x46: {  	_ =	shalt  }
0x47: {  	_ =	shalt  }
0x48: {  	_ =	shalt  }
0x49: {  	_ =	shalt  }
0x4a: {  	_ =	shalt  }
0x4b: {  	_ =	shalt  }
0x4c: {  	_ =	shalt  }
0x4d: {  	_ =	shalt  }
0x4e: {  	_ =	shalt  }
0x4f: {  	_ =	shalt  }
0x50: {  	_ =	shalt  }
0x51: {  	_ =	shalt  }
0x52: {  	_ =	shalt  }
0x53: {  	_ =	shalt  }
0x54: {  	_ =	shalt  }
0x55: {  	_ =	shalt  }
0x56: {  	_ =	shalt  }
0x57: {  	_ =	shalt  }
0x58: {  	_ =	shalt  }
0x59: {  	_ =	shalt  }
0x5a: {  	_ =	shalt  }
0x5b: {  	_ =	shalt  }
0x5c: {  	_ =	shalt  }
0x5d: {  	_ =	shalt  }
0x5e: {  	_ =	shalt  }
0x5f: {  	_ =	shalt  }
0x60: {  	_ =	shalt  }
0x61: {  	_ =	shalt  }
0x62: {  	_ =	shalt  }
0x63: {  	_ =	shalt  }
0x64: {  	_ =	shalt  }
0x65: {  	_ =	shalt  }
0x66: {  	_ =	shalt  }
0x67: {  	_ =	shalt  }
0x68: {  	_ =	shalt  }
0x69: {  	_ =	shalt  }
0x6a: {  	_ =	shalt  }
0x6b: {  	_ =	shalt  }
0x6c: {  	_ =	shalt  }
0x6d: {  	_ =	shalt  }
0x6e: {  	_ =	shalt  }
0x6f: {  	_ =	shalt  }
0x70: {  	_ =	shalt  }
0x71: {  	_ =	shalt  }
0x72: {  	_ =	shalt  }
0x73: {  	_ =	shalt  }
0x74: {  	_ =	shalt  }
0x75: {  	_ =	shalt  }
0x76: {  	_ =	shalt  }
0x77: {  	_ =	shalt  }
0x78: {  	_ =	shalt  }
0x79: {  	_ =	shalt  }
0x7a: {  	_ =	shalt  }
0x7b: {  	_ =	shalt  }
0x7c: {  	_ =	shalt  }
0x7d: {  	_ =	shalt  }
0x7e: {  	_ =	shalt  }
0x7f: {  	_ =	shalt  }
0x80: {  	_ =	shalt  }
0x81: {  	_ =	shalt  }
0x82: {  	_ =	shalt  }
0x83: {  	_ =	shalt  }
0x84: {  	_ =	shalt  }
0x85: {  	_ =	shalt  }
0x86: {  	_ =	shalt  }
0x87: {  	_ =	shalt  }
.Lfunc_end0:
.L_simem_size_0:
called_computation.3_lowered:
.L_overlay_start_0:
0x88: {  	s2 =	sld [smem:$0x3FD9]  }
0x89: {  	s3 =	sld [smem:$0x3FFE];
	_ =	sdelay $0x1  }
0x8a: {  	s1 =	srdreg.scid  }
0x8b: {  	s0 =	sand.u32 $0x1, s1  }
0x8c: {  	s17 =	sshll.u32 s0, $0xA;
	s2 =	sadd.s32 s3, s2  }
0x8d: {  	s2 =	sadd.s32 s2, s17  }
0x8e: {  	[smem:$0x3FC2] =	sst s2  }
0x8f: {  	_ = 	snop  }
0x90: {  	s2 =	sld [smem:$0x3FD0];
	(tm) =	ssettm $0x1  }
0x91: {  	s18 =	sld [smem:$0x3FFB];
	_ =	sdelay $0x3  }
0x92: {  	_ =	strace s18  }
0x93: {  	s3 =	sld [smem:$0x3FFC];
	_ =	sdelay $0x3  }
0x94: {  	_ =	strace s3  }
0x95: {  	s3 =	sld [smem:$0x3FFD];
	_ =	sdelay $0x3  }
0x96: {  	_ =	strace s3  }
0x97: {  	_ =	strace $0x8FFFFFFF  }
0x98: {  	s19 =	sld [smem:$0x3FDB];
	_ =	sdelay $0x1  }
0x99: {  	s4 =	simm.s32 $_scs_section_size  }
0x9a: {  	s5 =	simm.s32 $_size__tile_overlayer_lowered;
	s6 =	simm.s32 $_tile_overlayer_lowered  }
0x9b: {  	s22 =	simm.s32 $0x1BFF;
	s21 =	sshll.u32 s6, $0x1;
	s3 =	sadd.s32 s4, s19  }
0x9c: {  	s7 =	simm.s32 $0x0;
	s20 =	sshll.u32 s5, $0x1;
	s5 =	sadd.s32 s21, s3  }
0x9d: {  	[timem:s7], [sflag:s22] =	dma.local [hbm:s5], s20  }
0x9e: {  	_ =	swait.ge [sflag:s22], s20  }
0x9f: {  	s4 =	ssub.s32 $0x0, s20;
	[sflag:s22] =	ssyncset.done $0x0  }
0xa0: {  	[sflag:s22] =	ssyncadd.s32 s4;
	_ =	sdelay $0x1  }
0xa1: {  	s23 =	simm.s32 $0x1B8B  }
0xa2: {  	_ =	swait.ge [sflag:s23], $0x1  }
0xa3: {  	[sflag:s23] =	ssyncset.done $0x0  }
0xa4: {  	s25 =	simm.s32 $0x1B8E;
	s24 =	sld [smem:$0x3FFE];
	[sflag:s23] =	ssyncadd.s32 $0xFFFFFFFF  }
0xa5: {  	s26 =	simm.s32 $execute0_lowered;
	[smem:$0x3FD2] =	sst s25  }
0xa6: {  	s5 =	sshll.u32 s26, $0x1;
	_ =	strace $0x8000004F;
	[dreg:$0x1] =	wrdreg $0xFFFFFFFF  }
0xa7: {  	s28 =	simm.s32 $_size_execute0_lowered;
	s3 =	sadd.s32 s3, s5;
	[dreg:$0x0] =	wrdreg $0x0  }
0xa8: {  	s5 =	sshll.u32 s28, $0x1;
	[dreg:$0x2] =	wrdreg s3  }
0xa9: {  	[dreg:$0x3] =	wrdreg s5  }
0xaa: {  	[dreg:$0x4] =	wrdreg $0xC0  }
0xab: {  	_ =	task [dreg:s7], $0x5FFFF  }
0xac: {  	[dreg:$0x1] =	wrdreg $0xFFFFFFFF  }
0xad: {  	[dreg:$0x0] =	wrdreg $0x60  }
0xae: {  	[dreg:$0x2] =	wrdreg s24  }
0xaf: {  	[dreg:$0x3] =	wrdreg s2  }
0xb0: {  	[dreg:$0x4] =	wrdreg $0x70000  }
0xb1: {  	[dreg:$0x5] =	wrdreg $0x9  }
0xb2: {  	_ =	task.clear_ibuf [dreg:s7], $0x6FFFF;
	_ =	strace $0x9000004F  }
0xb3: {  	s29 =	simm.s32 $0x9;
	_ =	strace $0x80000051  }
0xb4: {  	_ =	swait.ge [sflag:s29], $0x1  }
0xb5: {  	[sflag:s29] =	ssyncadd.s32 $0xFFFFFFFF  }
0xb6: {  	_ =	strace $0x90000051  }
0xb7: {  	_ =	sfence  }
0xb8: {  	s30 =	sld [smem:$0x0];
	_ =	sdelay $0x2  }
0xb9: {  	s31 =	sshll.u32 s1, $0xD;
	s1 =	sshrl.u32 s1, $0x2  }
0xba: {  	s3 =	sand.u32 $0x4000, s31;
	s1 =	sadd.s32 s1, s30  }
0xbb: {  	s0 =	sor.u32 s3, s0;
	s1 =	sshll.u32 s1, $0x11  }
0xbc: {  	s0 =	sor.u32 s1, s0  }
0xbd: {  	s0 =	sadd.s32 $0x8F2B, s0  }
0xbe: {  	[sflag:s0] =	ssyncadd.remote.s32 $0x1  }
0xbf: {  	_ =	sfence.sel $0xFFFF  }
0xc0: {  	[dreg:$0x0] =	wrdreg $0xFFFFFFFF;
	(pc) =	sbr.abs _section_cstart, $3  }
0xc1: {  	[dreg:$0x1] =	wrdreg $0xFFFFFFFF  }
0xc2: {  	_ =	task.clear_ibuf [dreg:s7], $0x2FFFF;
	_ =	strace $0x9FFFFFFF  }
0xc3: {  	(tm) =	ssettm $0x7FFFFFFF  }
tec
execute0_lowered:
.L_overlay_start_1:
0x0: {  	(tag) =	ssettag $0x1  }
0x1: {  	s7 =	rddreg [dreg:$0x0]  }
0x2: {  	s8 =	rddreg [dreg:$0x1]  }
0x3: {  	s2 =	rddreg [dreg:$0x2]  }
0x4: {  	s0 =	rddreg [dreg:$0x3];
	s3 =	simm.s32 $0x0;
	s4 =	srdreg.scid  }
0x5: {  	s1 =	stileid.u32;
	s15 =	simm.s32 $0x50;
	s16 =	simm.s32 $0x2000  }
0x6: {  	s18 =	simm.s32 $0x1C00;
	s19 =	simm.s32 $0x0;
	s10 =	smul.u32 $0x280, s1  }
0x7: {  	[smem:$0x7FF] =	sst s3;
	s9 =	sand.u32 $0x1, s4;
	s11 =	smul.u32 $0x50000, s1  }
0x8: {  	s4 =	sadd.s32 $0x2AA00, s7;
	s5 =	sadd.s32 $0x3EA00, s7;
	s13 =	smul.u32 $0x2800, s1  }
0x9: {  	s6 =	sadd.s32 $0x52A00, s7;
	s17 =	smul.u32 $0x2800, s9;
	s9 =	ssub.s32 $0x2, s9  }
0xa: {  	s31 =	sshll.u32 s1, $0x6;
	_ =	strace $0x80000050;
	s12 =	sshrl.u32 s9, $0x1  }
0xb: {  	s30 =	sshrl.u32 s11, $0x2;
	s10 =	sadd.s32 s10, s17;
	s12 =	ssub.s32 s9, s12  }
0xc: {  	s14 =	sadd.s32 s30, s2;
	s9 =	smul.u32 $0xA000, s1;
	v0 =	vmov s17;
	s17 =	simm.s32 $0x1  }
0xd: {  	s10 =	sshll.u32 s10, $0x4;
	s11 =	smax.u32 s12, $0x1;
	s12 =	sshrl.u32 s14, $0x3  }
0xe: {  	s14 =	simm.s32 $0x1000;
	s10 =	sadd.s32 s10, s7;
	s7 =	sadd.s32 s8, s13  }
0xf: {  	s8 =	sor.u32 $0x1C03, s31;
	s13 =	simm.s32 $0x3;
	s10 =	sadd.s32 $0xA2A00, s10  }
.LBB2_1:
0x10: {  	[spmem:s12], [sflag:s8] =	dma.local [hbm:s7], $0x2800  }
0x11: {  	_ =	swait.ge [sflag:s13], $0x2800  }
0x12: {  	[sflag:s13] =	ssyncset.done $0x0  }
0x13: {  	[sflag:s13] =	ssyncadd.s32 $0xFFFFD800  }
0x14: {  	s20 =	simm.s32 $0x0;
	[bflag:$0x0] =	sbarrier.arrive $0xFFFF  }
.LBB2_2:
0x15: {  	s21 =	sshll.u32 s20, $0xC  }
0x16: {  	s21 =	sadd.s32 s9, s21  }
0x17: {  	s21 =	sshrl.u32 s21, $0x3  }
0x18: {  	s22 =	sadd.s32 s4, s21  }
0x19: {  	[tilespmem:s3], [sflag:$0x3] =	stream.linear.gather [hbm4b:s22+s3], $0xC80, $0x38;
	[tilespmem:$0x1B000] =	vst v63  }
0x1a: {  	_ =	swait.ge [sflag:s13], $0xC80  }
0x1b: {  	[sflag:s13] =	ssyncset.done $0x0  }
0x1c: {  	s21 =	sadd.s32 s5, s21;
	[sflag:s13] =	ssyncadd.s32 $0xFFFFF380  }
0x1d: {  	[tilespmem:s14], [sflag:$0x3] =	stream.linear.gather [hbm4b:s21+s3], $0xC80, $0x38;
	[tilespmem:$0x1B000] =	vst v63  }
0x1e: {  	_ =	swait.ge [sflag:s13], $0xC80  }
0x1f: {  	[sflag:s13] =	ssyncset.done $0x0  }
0x20: {  	s21 =	simm.s32 $0x40;
	[sflag:s13] =	ssyncadd.s32 $0xFFFFF380  }
0x21: {  	v1 =	vld [tilespmem:s21+$0xFFFFFFC0]  }
0x22: {  	v2 =	vld [tilespmem:s21+$0xFFFFFFD0]  }
0x23: {  	v3 =	vld [tilespmem:s21+$0xFFFFFFE0]  }
0x24: {  	v4 =	vld [tilespmem:s21+$0x0]  }
0x25: {  	v5 =	vld [tilespmem:s21+$0xFFFFFFF0]  }
0x26: {  	v1 =	vadd.s32 v0, v1  }
0x27: {  	s22 =	simm.s32 $0xC0;
	v2 =	vadd.s32 v0, v2;
	[tilespmem:s21+$0xFFFFFFC0] =	vst v1  }
0x28: {  	v3 =	vadd.s32 v0, v3;
	v1 =	vld [tilespmem:s22+$0xFFFFFFC0];
	[tilespmem:s21+$0xFFFFFFD0] =	vst v2  }
0x29: {  	v6 =	vadd.s32 v0, v4;
	v2 =	vld [tilespmem:s22+$0xFFFFFFD0];
	[tilespmem:s21+$0xFFFFFFE0] =	vst v3  }
0x2a: {  	s23 =	simm.s32 $0x500;
	v4 =	vadd.s32 v0, v5;
	v3 =	vld [tilespmem:s22+$0xFFFFFFE0];
	[tilespmem:s21+$0x0] =	vst v6  }
.LBB2_3:
0x2b: {  	p0 =	sne.s32 s23, $0x3100;
	v5 =	vld [tilespmem:s22+$0x0];
	[tilespmem:s21+$0xFFFFFFF0] =	vst v4;
	s21 =	smov.u32 s22  }
0x2c: {  	v4 =	vld [tilespmem:s21+$0xFFFFFFF0]  }
.Ltmp0:
0x2d: {  	v1 =	vadd.s32 v0, v1;
	(pc) =	sbr.rel @p0 .LBB2_3-.Ltmp0, $4  }
0x2e: {  	s22 =	sshra.s32 s23, $0x2;
	[tilespmem:s21+$0xFFFFFFC0] =	vst v1;
	v2 =	vadd.s32 v0, v2  }
0x2f: {  	v1 =	vld [tilespmem:s22+$0xFFFFFFC0];
	[tilespmem:s21+$0xFFFFFFD0] =	vst v2;
	v3 =	vadd.s32 v0, v3  }
0x30: {  	v2 =	vld [tilespmem:s22+$0xFFFFFFD0];
	[tilespmem:s21+$0xFFFFFFE0] =	vst v3;
	v5 =	vadd.s32 v0, v5  }
0x31: {  	s23 =	sadd.s32 $0x200, s23;
	v3 =	vld [tilespmem:s22+$0xFFFFFFE0];
	v4 =	vadd.s32 v0, v4;
	[tilespmem:s21+$0x0] =	vst v5  }
0x32: {  	v5 =	vld [tilespmem:s22+$0x0];
	[tilespmem:s21+$0xFFFFFFF0] =	vst v4  }
0x33: {  	v4 =	vld [tilespmem:s22+$0xFFFFFFF0]  }
0x34: {  	v1 =	vadd.s32 v0, v1  }
0x35: {  	s26 =	simm.s32 $0x1;
	[tilespmem:s22+$0xFFFFFFC0] =	vst v1;
	v1 =	vadd.s32 v0, v2  }
0x36: {  	s21 =	sand.u32 $0x1, s26;
	[tilespmem:s22+$0xFFFFFFD0] =	vst v1;
	v1 =	vadd.s32 v0, v3  }
0x37: {  	s29 =	smul.u32 $0xA000, s21;
	[tilespmem:s22+$0xFFFFFFE0] =	vst v1;
	v1 =	vadd.s32 v0, v5  }
0x38: {  	s24 =	simm.s32 $0x1000;
	s25 =	simm.s32 $0x80;
	v2 =	vadd.s32 v0, v4;
	[tilespmem:s22+$0x0] =	vst v1  }
0x39: {  	s23 =	sxor.u32 $0x1, s21;
	s21 =	sadd.s32 $0x1, s21;
	[tilespmem:s22+$0xFFFFFFF0] =	vst v2;
	s22 =	sshrl.u32 s29, $0x2  }
0x3a: {  	[tilespmem:s16], [sflag:$0x1] =	stream.indirect.gather [hbm4b:s6+s15], $0x80, s3, s15, $0xb8;
	[tilespmem:$0x1B000] =	vst v63  }
0x3b: {  	s26 =	smul.u32 $0xA000, s23;
	s28 =	sadd.s32 $0x1, s23;
	s22 =	sadd.s32 $0x2000, s22  }
0x3c: {  	[tilespmem:s22], [sflag:s21] =	stream.indirect.gather [hbm4b:s6+s15], $0x80, s25, s15, $0xb8;
	[tilespmem:$0x1B000] =	vst v63  }
0x3d: {  	s30 =	simm.s32 $0x2;
	s26 =	sshrl.u32 s26, $0x2;
	_ =	swait.ge [sflag:s28], $0x2800  }
0x3e: {  	s23 =	sand.u32 $0x1, s30;
	s31 =	sadd.s32 $0x2000, s26;
	[sflag:s28] =	ssyncset.done $0x0  }
0x3f: {  	s26 =	sxor.u32 $0x1, s23;
	s25 =	simm.s32 $0x3;
	[sflag:s28] =	ssyncadd.s32 $0xFFFFD800  }
0x40: {  	[spmem:s2] =	stream.indirect.scatter.add.f32 [tilespmem:s31], [sflag:$0x3], $0x80, s24, s15, $0xb8;
	[tilespmem:$0x1B000] =	vst v63  }
0x41: {  	s21 =	simm.s32 $0x100;
	s28 =	smul.u32 $0xA000, s23;
	_ =	swait.ge [sflag:s13], $0x2800  }
0x42: {  	s22 =	simm.s32 $0x1080;
	s24 =	smul.u32 $0xA000, s26;
	[sflag:s13] =	ssyncset.done $0x0  }
.LBB2_5:
0x43: {  	s28 =	sshrl.u32 s28, $0x2;
	[sflag:s13] =	ssyncadd.s32 $0xFFFFD800  }
0x44: {  	s29 =	smov.u32 s25;
	s30 =	sadd.s32 $0x1, s25;
	s23 =	sadd.s32 $0x1, s23  }
0x45: {  	s26 =	sadd.s32 $0x1, s26;
	p0 =	sne.s32 s25, $0x18;
	s28 =	sadd.s32 $0x2000, s28  }
0x46: {  	[tilespmem:s28], [sflag:s23] =	stream.indirect.gather [hbm4b:s6+s15], $0x80, s21, s15, $0xb8;
	[tilespmem:$0x1B000] =	vst v63  }
0x47: {  	s24 =	sshrl.u32 s24, $0x2;
	s25 =	smov.u32 s30;
	_ =	swait.ge [sflag:s26], $0x2800  }
.Ltmp1:
0x48: {  	s21 =	sadd.s32 $0x80, s21;
	[sflag:s26] =	ssyncset.done $0x0;
	(pc) =	sbr.rel @p0 .LBB2_5-.Ltmp1, $4  }
0x49: {  	s23 =	sand.u32 $0x1, s29;
	s24 =	sadd.s32 $0x2000, s24;
	[sflag:s26] =	ssyncadd.s32 $0xFFFFD800  }
0x4a: {  	[spmem:s2] =	stream.indirect.scatter.add.f32 [tilespmem:s24], [sflag:$0x3], $0x80, s22, s15, $0xb8;
	[tilespmem:$0x1B000] =	vst v63  }
0x4b: {  	s28 =	smul.u32 $0xA000, s23;
	s26 =	sxor.u32 $0x1, s23;
	_ =	swait.ge [sflag:s13], $0x2800  }
0x4c: {  	s24 =	smul.u32 $0xA000, s26;
	s22 =	sadd.s32 $0x80, s22;
	[sflag:s13] =	ssyncset.done $0x0  }
0x4d: {  	s25 =	sshrl.u32 s28, $0x2;
	[sflag:s13] =	ssyncadd.s32 $0xFFFFD800  }
0x4e: {  	s23 =	sadd.s32 $0x1, s23;
	s26 =	sadd.s32 $0x1, s26;
	s25 =	sadd.s32 $0x2000, s25  }
0x4f: {  	[tilespmem:s25], [sflag:s23] =	stream.indirect.gather [hbm4b:s6+s15], $0x80, s21, s15, $0xb8;
	[tilespmem:$0x1B000] =	vst v63  }
0x50: {  	_ =	swait.ge [sflag:s26], $0x2800  }
0x51: {  	s31 =	sshrl.u32 s24, $0x2;
	[sflag:s26] =	ssyncset.done $0x0  }
0x52: {  	s21 =	sadd.s32 $0x2000, s31;
	[sflag:s26] =	ssyncadd.s32 $0xFFFFD800  }
0x53: {  	[spmem:s2] =	stream.indirect.scatter.add.f32 [tilespmem:s21], [sflag:$0x3], $0x80, s22, s15, $0xb8;
	[tilespmem:$0x1B000] =	vst v63  }
0x54: {  	_ =	swait.ge [sflag:s13], $0x2800  }
0x55: {  	[sflag:s13] =	ssyncset.done $0x0  }
0x56: {  	[sflag:s13] =	ssyncadd.s32 $0xFFFFD800  }
0x57: {  	s20 =	sadd.s32 $0x1, s20;
	_ =	swait.ge [sflag:s17], $0x2800  }
0x58: {  	p0 =	sne.s32 s20, $0xA;
	[sflag:s17] =	ssyncset.done $0x0  }
.Ltmp2:
0x59: {  	[sflag:s17] =	ssyncadd.s32 $0xFFFFD800;
	(pc) =	sbr.rel @p0 .LBB2_2-.Ltmp2, $4  }
0x5a: {  	[spmem:s2] =	stream.indirect.scatter.add.f32 [tilespmem:s16], [sflag:$0x3], $0x80, s18, s15, $0xb8;
	[tilespmem:$0x1B000] =	vst v63  }
0x5b: {  	_ =	swait.ge [sflag:s13], $0x2800  }
0x5c: {  	[sflag:s13] =	ssyncset.done $0x0  }
0x5d: {  	[sflag:s13] =	ssyncadd.s32 $0xFFFFD800  }
0x5e: {  	s19 =	sadd.s32 $0x1, s19  }
0x5f: {  	p0 =	sne.s32 s19, s11  }
.Ltmp3:
0x60: {  	[bflag:$0x0] =	sbarrier.arrive $0xFFFF;
	(pc) =	sbr.rel @p0 .LBB2_1-.Ltmp3, $4  }
0x61: {  	[hbm:s10], [sflag:s8] =	dma.local [spmem:s12], $0x2800  }
0x62: {  	_ =	swait.ge [sflag:s13], $0x2800  }
0x63: {  	[sflag:s13] =	ssyncset.done $0x0  }
0x64: {  	[sflag:s13] =	ssyncadd.s32 $0xFFFFD800  }
0x65: {  	_ =	sfence.sel $0x180000  }
0x66: {  	[bflag:$0x0] =	sbarrier.arrive $0xFFFF  }
0x67: {  	p0 =	sne.s32 s1, $0x0;
	_ =	strace $0x90000050  }
0x68: {  	s0 =	sadd.s32 @!p0 $0x100000, s0;
	[bflag:$0x2] =	sbarrier.arrive $0xFFFF  }
0x69: {  	[sflag:s0] =	ssyncadd.tile.s32 @!p0 $0x1;
	_ =	shalt  }
.Lfunc_end2:
_tile_overlayer_lowered:
.L_overlay_start_2:
0x6a: {  	(tag) =	ssettag $0x2  }
0x6b: {  	s0 =	rddreg [dreg:$0x0];
	s2 =	stileid.u32  }
0x6c: {  	s1 =	rddreg [dreg:$0x1];
	p0 =	sne.s32 s2, $0x0  }
0x6d: {  	s3 =	rddreg [dreg:$0x2];
	[bflag:$0x3] =	sbarrier.arrive $0xFFFF;
	s2 =	simm.s32 @!p0 $0x1C03  }
0x6e: {  	[timem:s3], [sflag:s2] =	dma.local @!p0 [hbm:s0], s1  }
0x6f: {  	s0 =	simm.s32 @!p0 $0x3  }
0x70: {  	_ =	swait.ge @!p0 [sflag:s0], s1  }
0x71: {  	s1 =	ssub.s32 @!p0 $0x0, s1;
	[sflag:s0] =	ssyncset.done @!p0 $0x0  }
0x72: {  	[sflag:s0] =	ssyncadd.s32 @!p0 s1  }
0x73: {  	[bflag:$0x3] =	sbarrier.arrive $0xFFFF  }
0x74: {  	_ =	shalt  }

</sc_bundles>
